<compile_context>
chip_gen: v7x
topology: tpu7x:2x2x1
jax: 0.10.2.dev20260603
libtpu: 0.0.44.dev20260713+nightly
codegen_flags: <defaults>
</compile_context>

<pallas_src>
import functools

import jax
import jax.numpy as jnp
from jax import lax
from jax.experimental import pallas as pl
from jax.experimental.pallas import tpu as pltpu
from jax.experimental.pallas import tpu_sc as plsc

_DIM = 32
_NW = 32
_SUB = 128
_N_SUB = 10
_CHUNK = _SUB * _N_SUB
_NBUF = 2


def _make_gather(n_rows):
    b_per_w = n_rows // _NW
    n_chunks = b_per_w // _CHUNK
    assert n_chunks % _NBUF == 0
    mesh = plsc.VectorSubcoreMesh(core_axis_name="c", subcore_axis_name="s")

    @functools.partial(
        pl.kernel,
        out_type=jax.ShapeDtypeStruct((n_rows, _DIM), jnp.float32),
        mesh=mesh,
        scratch_types=[
            pltpu.VMEM((_NBUF, _N_SUB, _SUB), jnp.int32),
            pltpu.VMEM((_NBUF, _CHUNK, _DIM), jnp.float32),
            pltpu.SemaphoreType.DMA((_NBUF,)),
            pltpu.SemaphoreType.DMA((_NBUF,)),
            pltpu.SemaphoreType.DMA((_NBUF,)),
        ],
        compiler_params=pltpu.CompilerParams(use_tc_tiling_on_sc=False),
    )
    def gather_kernel(idx_hbm, table_hbm, out_hbm, idx_v, rows_v,
                      idx_sem, gat_sem, wb_sem):
        wid = lax.axis_index("s") * 2 + lax.axis_index("c")
        idx_row0 = wid * (b_per_w // _SUB)
        out_row0 = wid * b_per_w

        def idx_copy(g, b):
            return pltpu.make_async_copy(
                idx_hbm.at[pl.ds(idx_row0 + g * _N_SUB, _N_SUB)],
                idx_v.at[b], idx_sem.at[b])

        def wb_copy(g, b):
            return pltpu.make_async_copy(
                rows_v.at[b],
                out_hbm.at[pl.ds(out_row0 + g * _CHUNK, _CHUNK)],
                wb_sem.at[b])

        idx_copy(0, 0).start()

        def body(gg, carry):
            for b in range(_NBUF):
                g = gg * _NBUF + b
                idx_copy(g, b).wait()

                @pl.when(g + 1 < n_chunks)
                def _():
                    idx_copy(g + 1, (b + 1) % _NBUF).start()

                @pl.when(g >= _NBUF)
                def _():
                    wb_copy(g - _NBUF, b).wait()

                copies = [
                    pltpu.async_copy(
                        table_hbm.at[idx_v.at[b, j]],
                        rows_v.at[b].at[pl.ds(j * _SUB, _SUB)],
                        gat_sem.at[b],
                    )
                    for j in range(_N_SUB)
                ]
                for c in copies:
                    c.wait()
                wb_copy(g, b).start()
            return carry

        lax.fori_loop(0, n_chunks // _NBUF, body, 0)
        for b in range(_NBUF):
            wb_copy(n_chunks - _NBUF + b, b).wait()

    return gather_kernel


def kernel(indices, table):
    b, h = indices.shape
    n = b * h
    idx2d = indices.reshape(n // _SUB, _SUB)
    out = _make_gather(n)(idx2d, table)
    return out.reshape(b, h, _DIM)

# --- scband reference (transcript-rebuilt; emitter-appended) ---
"""Pipeline reference for scband-embeddings-33517924778708 (READ-ONLY COPY).

The authoritative reference and input builder live on the scoring server;
editing this copy changes nothing except your own understanding.
"""

import jax, jax.numpy as jnp
import numpy as np

VOCAB = 1000000
DIM = 32
BATCH = 4096
HIST = 200

def setup_inputs(seed: int = 0) -> dict:
    key = jax.random.key(seed)
    k1, k2 = jax.random.split(key)
    indices = jax.random.randint(k1, (BATCH, HIST), 0, VOCAB, dtype=jnp.int32)
    # learned embedding table per init_kwargs (len(vocabulary)=1000000, dim=32)
    table = jax.random.normal(k2, (VOCAB, DIM), dtype=jnp.float32) * 0.02
    return {"indices": indices, "table": table}

def reference(indices, table):
    # nn.Embedding forward: row gather from the table
    return jnp.take(table, indices, axis=0)

if __name__ == "__main__":
    import jax
    _d = setup_inputs()
    print(jax.jit(kernel)(*tuple(_d.values())))

</pallas_src>

<mosaic_0001>
#map = affine_map<(d0, d1) -> (0, 0)>
module attributes {stable_mosaic.version = 14 : i64} {
  func.func @gather_kernel(%arg0: i32, %arg1: i32, %arg2: memref<6400x128xi32, #tpu.memory_space<hbm>>, %arg3: memref<1000000x32xf32, #tpu.memory_space<hbm>>, %arg4: memref<819200x32xf32, #tpu.memory_space<hbm>>, %arg5: memref<2x10x128xi32, #tpu.memory_space<vmem>>, %arg6: memref<2x1280x32xf32, #tpu.memory_space<vmem>>, %arg7: memref<2x!tpu.dma_semaphore, #tpu.memory_space<semaphore_mem>>, %arg8: memref<2x!tpu.dma_semaphore, #tpu.memory_space<semaphore_mem>>, %arg9: memref<2x!tpu.dma_semaphore, #tpu.memory_space<semaphore_mem>>) attributes {dimension_semantics = [#tpu.dimension_semantics<core_parallel>, #tpu.dimension_semantics<subcore_parallel>], iteration_bounds = array<i64: 2, 16>, scalar_prefetch = 0 : i64, scratch_operands = 5 : i64, tpu.core_type = #tpu.core_type<sc_vector_subcore>, window_params = [{transform_indices = #map}, {transform_indices = #map}, {transform_indices = #map}]} {
    %mul3A = arith.constant 2 : i32
    %mul3A_0 = arith.muli %arg1, %mul3A : i32
    %add3A = arith.addi %mul3A_0, %arg0 : i32
    %mul3A_1 = arith.constant 200 : i32
    %mul3A_2 = arith.muli %add3A, %mul3A_1 : i32
    %mul3A_3 = arith.constant 25600 : i32
    %mul3A_4 = arith.muli %add3A, %mul3A_3 : i32
    %add3A_5 = arith.constant 0 : i32
    %add3A_6 = arith.addi %mul3A_2, %add3A_5 : i32
    %dma_start3A = arith.constant 0 : i32
    %dma_start3A_7 = arith.constant 0 : i32
    %dma_start3A_8 = arith.constant 0 : i32
    %dma_start3A_9 = arith.constant 0 : i32
    %dma_start3A_10 = tpu.memref_slice %arg5[%dma_start3A, %dma_start3A_8, %dma_start3A_9] : memref<2x10x128xi32, #tpu.memory_space<vmem>> -> memref<1x10x128xi32, #tpu.memory_space<vmem>>
    %dma_start3A_11 = tpu.memref_squeeze %dma_start3A_10 : memref<1x10x128xi32, #tpu.memory_space<vmem>> -> memref<10x128xi32, #tpu.memory_space<vmem>>
    %dma_start3A_12 = arith.constant 0 : i32
    %dma_start3A_13 = tpu.memref_slice %arg2[%add3A_6, %dma_start3A_12] : memref<6400x128xi32, #tpu.memory_space<hbm>> -> memref<10x128xi32, #tpu.memory_space<hbm>>
    %dma_start3A_14 = tpu.memref_slice %arg7[%dma_start3A_7] : memref<2x!tpu.dma_semaphore, #tpu.memory_space<semaphore_mem>> -> memref<1x!tpu.dma_semaphore, #tpu.memory_space<semaphore_mem>>
    %dma_start3A_15 = tpu.memref_squeeze %dma_start3A_14 : memref<1x!tpu.dma_semaphore, #tpu.memory_space<semaphore_mem>> -> memref<!tpu.dma_semaphore, #tpu.memory_space<semaphore_mem>>
    %dma_start3A_16 = arith.constant 0 : i32
    %dma_start3A_17 = arith.constant 0 : i32
    %dma_start3A_18 = tpu.memref_slice %arg5[%dma_start3A, %dma_start3A_16, %dma_start3A_17] : memref<2x10x128xi32, #tpu.memory_space<vmem>> -> memref<1x10x128xi32, #tpu.memory_space<vmem>>
    %dma_start3A_19 = tpu.memref_squeeze %dma_start3A_18 : memref<1x10x128xi32, #tpu.memory_space<vmem>> -> memref<10x128xi32, #tpu.memory_space<vmem>>
    %dma_start3A_20 = arith.constant 0 : i32
    %dma_start3A_21 = tpu.memref_slice %arg2[%add3A_6, %dma_start3A_20] : memref<6400x128xi32, #tpu.memory_space<hbm>> -> memref<10x128xi32, #tpu.memory_space<hbm>>
    tpu.enqueue_dma source(%dma_start3A_21 : memref<10x128xi32, #tpu.memory_space<hbm>>) target(%dma_start3A_19 : memref<10x128xi32, #tpu.memory_space<vmem>>) target_semaphore(%dma_start3A_15 : memref<!tpu.dma_semaphore, #tpu.memory_space<semaphore_mem>>)
    %scan3A = arith.constant 0 : i32
    %scan3A_22 = arith.constant 0 : i32
    %scan3A_23 = arith.constant 10 : i32
    %scan3A_24 = arith.addi %scan3A_22, %scan3A_23 : i32
    %scan3A_25 = arith.constant 1 : i32
    scf.for %scan3A_62 = %scan3A_22 to %scan3A_24 step %scan3A_25  : i32 {
      %mul3A_63 = arith.constant 2 : i32
      %mul3A_64 = arith.muli %scan3A_62, %mul3A_63 : i32
      %add3A_65 = arith.constant 0 : i32
      %add3A_66 = arith.addi %mul3A_64, %add3A_65 : i32
      %mul3A_67 = arith.constant 10 : i32
      %mul3A_68 = arith.muli %add3A_66, %mul3A_67 : i32
      %add3A_69 = arith.addi %mul3A_2, %mul3A_68 : i32
      %dma_wait3A_70 = arith.constant 0 : i32
      %dma_wait3A_71 = arith.constant 0 : i32
      %dma_wait3A_72 = arith.constant 0 : i32
      %dma_wait3A_73 = arith.constant 0 : i32
      %dma_wait3A_74 = tpu.memref_slice %arg5[%dma_wait3A_70, %dma_wait3A_72, %dma_wait3A_73] : memref<2x10x128xi32, #tpu.memory_space<vmem>> -> memref<1x10x128xi32, #tpu.memory_space<vmem>>
      %dma_wait3A_75 = tpu.memref_squeeze %dma_wait3A_74 : memref<1x10x128xi32, #tpu.memory_space<vmem>> -> memref<10x128xi32, #tpu.memory_space<vmem>>
      %dma_wait3A_76 = arith.constant 0 : i32
      %dma_wait3A_77 = tpu.memref_slice %arg2[%add3A_69, %dma_wait3A_76] : memref<6400x128xi32, #tpu.memory_space<hbm>> -> memref<10x128xi32, #tpu.memory_space<hbm>>
      %dma_wait3A_78 = tpu.memref_slice %arg7[%dma_wait3A_71] : memref<2x!tpu.dma_semaphore, #tpu.memory_space<semaphore_mem>> -> memref<1x!tpu.dma_semaphore, #tpu.memory_space<semaphore_mem>>
      %dma_wait3A_79 = tpu.memref_squeeze %dma_wait3A_78 : memref<1x!tpu.dma_semaphore, #tpu.memory_space<semaphore_mem>> -> memref<!tpu.dma_semaphore, #tpu.memory_space<semaphore_mem>>
      %dma_wait3A_80 = arith.constant 0 : i32
      %dma_wait3A_81 = arith.constant 0 : i32
      %dma_wait3A_82 = tpu.memref_slice %arg5[%dma_wait3A_70, %dma_wait3A_80, %dma_wait3A_81] : memref<2x10x128xi32, #tpu.memory_space<vmem>> -> memref<1x10x128xi32, #tpu.memory_space<vmem>>
      %dma_wait3A_83 = tpu.memref_squeeze %dma_wait3A_82 : memref<1x10x128xi32, #tpu.memory_space<vmem>> -> memref<10x128xi32, #tpu.memory_space<vmem>>
      %dma_wait3A_84 = arith.constant 0 : i32
      %dma_wait3A_85 = tpu.memref_slice %arg2[%add3A_69, %dma_wait3A_84] : memref<6400x128xi32, #tpu.memory_space<hbm>> -> memref<10x128xi32, #tpu.memory_space<hbm>>
      tpu.wait_dma2 semaphore(%dma_wait3A_79 : memref<!tpu.dma_semaphore, #tpu.memory_space<semaphore_mem>>) src(%dma_wait3A_85 : memref<10x128xi32, #tpu.memory_space<hbm>>) dst(%dma_wait3A_83 : memref<10x128xi32, #tpu.memory_space<vmem>>)
      %add3A_86 = arith.constant 1 : i32
      %add3A_87 = arith.addi %add3A_66, %add3A_86 : i32
      %lt3A = arith.constant 20 : i32
      %lt3A_88 = arith.cmpi slt, %add3A_87, %lt3A : i32
      %convert_element_type3A = arith.extui %lt3A_88 : i1 to i32
      %cond3A = arith.constant 0 : i32
      %cond3A_89 = arith.cmpi ne, %convert_element_type3A, %cond3A : i32
      scf.if %cond3A_89 {
        %add3A_927 = arith.constant 1 : i32
        %add3A_928 = arith.addi %add3A_66, %add3A_927 : i32
        %mul3A_929 = arith.constant 10 : i32
        %mul3A_930 = arith.muli %add3A_928, %mul3A_929 : i32
        %add3A_931 = arith.addi %mul3A_2, %mul3A_930 : i32
        %dma_start3A_932 = arith.constant 1 : i32
        %dma_start3A_933 = arith.constant 1 : i32
        %dma_start3A_934 = arith.constant 0 : i32
        %dma_start3A_935 = arith.constant 0 : i32
        %dma_start3A_936 = tpu.memref_slice %arg5[%dma_start3A_932, %dma_start3A_934, %dma_start3A_935] : memref<2x10x128xi32, #tpu.memory_space<vmem>> -> memref<1x10x128xi32, #tpu.memory_space<vmem>>
        %dma_start3A_937 = tpu.memref_squeeze %dma_start3A_936 : memref<1x10x128xi32, #tpu.memory_space<vmem>> -> memref<10x128xi32, #tpu.memory_space<vmem>>
        %dma_start3A_938 = arith.constant 0 : i32
        %dma_start3A_939 = tpu.memref_slice %arg2[%add3A_931, %dma_start3A_938] : memref<6400x128xi32, #tpu.memory_space<hbm>> -> memref<10x128xi32, #tpu.memory_space<hbm>>
        %dma_start3A_940 = tpu.memref_slice %arg7[%dma_start3A_933] : memref<2x!tpu.dma_semaphore, #tpu.memory_space<semaphore_mem>> -> memref<1x!tpu.dma_semaphore, #tpu.memory_space<semaphore_mem>>
        %dma_start3A_941 = tpu.memref_squeeze %dma_start3A_940 : memref<1x!tpu.dma_semaphore, #tpu.memory_space<semaphore_mem>> -> memref<!tpu.dma_semaphore, #tpu.memory_space<semaphore_mem>>
        %dma_start3A_942 = arith.constant 0 : i32
        %dma_start3A_943 = arith.constant 0 : i32
        %dma_start3A_944 = tpu.memref_slice %arg5[%dma_start3A_932, %dma_start3A_942, %dma_start3A_943] : memref<2x10x128xi32, #tpu.memory_space<vmem>> -> memref<1x10x128xi32, #tpu.memory_space<vmem>>
        %dma_start3A_945 = tpu.memref_squeeze %dma_start3A_944 : memref<1x10x128xi32, #tpu.memory_space<vmem>> -> memref<10x128xi32, #tpu.memory_space<vmem>>
        %dma_start3A_946 = arith.constant 0 : i32
        %dma_start3A_947 = tpu.memref_slice %arg2[%add3A_931, %dma_start3A_946] : memref<6400x128xi32, #tpu.memory_space<hbm>> -> memref<10x128xi32, #tpu.memory_space<hbm>>
        tpu.enqueue_dma source(%dma_start3A_947 : memref<10x128xi32, #tpu.memory_space<hbm>>) target(%dma_start3A_945 : memref<10x128xi32, #tpu.memory_space<vmem>>) target_semaphore(%dma_start3A_941 : memref<!tpu.dma_semaphore, #tpu.memory_space<semaphore_mem>>)
      } else {
      }
      %ge3A = arith.constant 2 : i32
      %ge3A_90 = arith.cmpi sge, %add3A_66, %ge3A : i32
      %convert_element_type3A_91 = arith.extui %ge3A_90 : i1 to i32
      %cond3A_92 = arith.constant 0 : i32
      %cond3A_93 = arith.cmpi ne, %convert_element_type3A_91, %cond3A_92 : i32
      scf.if %cond3A_93 {
        %sub3A = arith.constant 2 : i32
        %sub3A_927 = arith.subi %add3A_66, %sub3A : i32
        %mul3A_928 = arith.constant 1280 : i32
        %mul3A_929 = arith.muli %sub3A_927, %mul3A_928 : i32
        %add3A_930 = arith.addi %mul3A_4, %mul3A_929 : i32
        %dma_wait3A_931 = arith.constant 0 : i32
        %dma_wait3A_932 = arith.constant 0 : i32
        %dma_wait3A_933 = arith.constant 0 : i32
        %dma_wait3A_934 = arith.constant 0 : i32
        %dma_wait3A_935 = tpu.memref_slice %arg6[%dma_wait3A_931, %dma_wait3A_933, %dma_wait3A_934] : memref<2x1280x32xf32, #tpu.memory_space<vmem>> -> memref<1x1280x32xf32, #tpu.memory_space<vmem>>
        %dma_wait3A_936 = tpu.memref_squeeze %dma_wait3A_935 : memref<1x1280x32xf32, #tpu.memory_space<vmem>> -> memref<1280x32xf32, #tpu.memory_space<vmem>>
        %dma_wait3A_937 = arith.constant 0 : i32
        %dma_wait3A_938 = tpu.memref_slice %arg4[%add3A_930, %dma_wait3A_937] : memref<819200x32xf32, #tpu.memory_space<hbm>> -> memref<1280x32xf32, #tpu.memory_space<hbm>>
        %dma_wait3A_939 = tpu.memref_slice %arg9[%dma_wait3A_932] : memref<2x!tpu.dma_semaphore, #tpu.memory_space<semaphore_mem>> -> memref<1x!tpu.dma_semaphore, #tpu.memory_space<semaphore_mem>>
        %dma_wait3A_940 = tpu.memref_squeeze %dma_wait3A_939 : memref<1x!tpu.dma_semaphore, #tpu.memory_space<semaphore_mem>> -> memref<!tpu.dma_semaphore, #tpu.memory_space<semaphore_mem>>
        %dma_wait3A_941 = arith.constant 0 : i32
        %dma_wait3A_942 = tpu.memref_slice %arg4[%add3A_930, %dma_wait3A_941] : memref<819200x32xf32, #tpu.memory_space<hbm>> -> memref<1280x32xf32, #tpu.memory_space<hbm>>
        %dma_wait3A_943 = arith.constant 0 : i32
        %dma_wait3A_944 = arith.constant 0 : i32
        %dma_wait3A_945 = tpu.memref_slice %arg6[%dma_wait3A_931, %dma_wait3A_943, %dma_wait3A_944] : memref<2x1280x32xf32, #tpu.memory_space<vmem>> -> memref<1x1280x32xf32, #tpu.memory_space<vmem>>
        %dma_wait3A_946 = tpu.memref_squeeze %dma_wait3A_945 : memref<1x1280x32xf32, #tpu.memory_space<vmem>> -> memref<1280x32xf32, #tpu.memory_space<vmem>>
        tpu.wait_dma2 semaphore(%dma_wait3A_940 : memref<!tpu.dma_semaphore, #tpu.memory_space<semaphore_mem>>) src(%dma_wait3A_946 : memref<1280x32xf32, #tpu.memory_space<vmem>>) dst(%dma_wait3A_942 : memref<1280x32xf32, #tpu.memory_space<hbm>>)
      } else {
      }
      %dma_start3A_94 = arith.constant 0 : i32
      %dma_start3A_95 = arith.constant 0 : i32
      %dma_start3A_96 = arith.constant 0 : i32
      %dma_start3A_97 = arith.constant 0 : i32
      %dma_start3A_98 = arith.constant 0 : i32
      %dma_start3A_99 = arith.constant 0 : i32
      %dma_start3A_100 = tpu.memref_slice %arg6[%dma_start3A_96, %dma_start3A_98, %dma_start3A_99] : memref<2x1280x32xf32, #tpu.memory_space<vmem>> -> memref<1x1280x32xf32, #tpu.memory_space<vmem>>
      %dma_start3A_101 = tpu.memref_squeeze %dma_start3A_100 : memref<1x1280x32xf32, #tpu.memory_space<vmem>> -> memref<1280x32xf32, #tpu.memory_space<vmem>>
      %dma_start3A_102 = arith.constant 0 : i32
      %dma_start3A_103 = arith.constant 0 : i32
      %dma_start3A_104 = tpu.memref_slice %dma_start3A_101[%dma_start3A_102, %dma_start3A_103] : memref<1280x32xf32, #tpu.memory_space<vmem>> -> memref<128x32xf32, #tpu.memory_space<vmem>>
      %dma_start3A_105 = arith.constant 0 : i32
      %dma_start3A_106 = tpu.memref_slice %arg5[%dma_start3A_94, %dma_start3A_95, %dma_start3A_105] : memref<2x10x128xi32, #tpu.memory_space<vmem>> -> memref<1x1x128xi32, #tpu.memory_space<vmem>>
      %dma_start3A_107 = tpu.memref_squeeze %dma_start3A_106 : memref<1x1x128xi32, #tpu.memory_space<vmem>> -> memref<128xi32, #tpu.memory_space<vmem>>
      %dma_start3A_108 = arith.constant 0 : i32
      %dma_start3A_109 = arith.constant 0 : i32
      %dma_start3A_110 = tpu.memref_slice %arg3[%dma_start3A_108, %dma_start3A_109] : memref<1000000x32xf32, #tpu.memory_space<hbm>> -> memref<1000000x32xf32, #tpu.memory_space<hbm>>
      %dma_start3A_111 = tpu.memref_slice %arg8[%dma_start3A_97] : memref<2x!tpu.dma_semaphore, #tpu.memory_space<semaphore_mem>> -> memref<1x!tpu.dma_semaphore, #tpu.memory_space<semaphore_mem>>
      %dma_start3A_112 = tpu.memref_squeeze %dma_start3A_111 : memref<1x!tpu.dma_semaphore, #tpu.memory_space<semaphore_mem>> -> memref<!tpu.dma_semaphore, #tpu.memory_space<semaphore_mem>>
      tpu.enqueue_indirect_dma source(%dma_start3A_110 : memref<1000000x32xf32, #tpu.memory_space<hbm>>) target(%dma_start3A_104 : memref<128x32xf32, #tpu.memory_space<vmem>>) offsets(%dma_start3A_107 : memref<128xi32, #tpu.memory_space<vmem>>) semaphore(%dma_start3A_112 : memref<!tpu.dma_semaphore, #tpu.memory_space<semaphore_mem>>)
      %dma_start3A_113 = arith.constant 0 : i32
      %dma_start3A_114 = arith.constant 1 : i32
      %dma_start3A_115 = arith.constant 0 : i32
      %dma_start3A_116 = arith.constant 0 : i32
      %dma_start3A_117 = arith.constant 0 : i32
      %dma_start3A_118 = arith.constant 0 : i32
      %dma_start3A_119 = tpu.memref_slice %arg6[%dma_start3A_115, %dma_start3A_117, %dma_start3A_118] : memref<2x1280x32xf32, #tpu.memory_space<vmem>> -> memref<1x1280x32xf32, #tpu.memory_space<vmem>>
      %dma_start3A_120 = tpu.memref_squeeze %dma_start3A_119 : memref<1x1280x32xf32, #tpu.memory_space<vmem>> -> memref<1280x32xf32, #tpu.memory_space<vmem>>
      %dma_start3A_121 = arith.constant 128 : i32
      %dma_start3A_122 = arith.constant 0 : i32
      %dma_start3A_123 = tpu.memref_slice %dma_start3A_120[%dma_start3A_121, %dma_start3A_122] : memref<1280x32xf32, #tpu.memory_space<vmem>> -> memref<128x32xf32, #tpu.memory_space<vmem>>
      %dma_start3A_124 = arith.constant 0 : i32
      %dma_start3A_125 = tpu.memref_slice %arg5[%dma_start3A_113, %dma_start3A_114, %dma_start3A_124] : memref<2x10x128xi32, #tpu.memory_space<vmem>> -> memref<1x1x128xi32, #tpu.memory_space<vmem>>
      %dma_start3A_126 = tpu.memref_squeeze %dma_start3A_125 : memref<1x1x128xi32, #tpu.memory_space<vmem>> -> memref<128xi32, #tpu.memory_space<vmem>>
      %dma_start3A_127 = arith.constant 0 : i32
      %dma_start3A_128 = arith.constant 0 : i32
      %dma_start3A_129 = tpu.memref_slice %arg3[%dma_start3A_127, %dma_start3A_128] : memref<1000000x32xf32, #tpu.memory_space<hbm>> -> memref<1000000x32xf32, #tpu.memory_space<hbm>>
      %dma_start3A_130 = tpu.memref_slice %arg8[%dma_start3A_116] : memref<2x!tpu.dma_semaphore, #tpu.memory_space<semaphore_mem>> -> memref<1x!tpu.dma_semaphore, #tpu.memory_space<semaphore_mem>>
      %dma_start3A_131 = tpu.memref_squeeze %dma_start3A_130 : memref<1x!tpu.dma_semaphore, #tpu.memory_space<semaphore_mem>> -> memref<!tpu.dma_semaphore, #tpu.memory_space<semaphore_mem>>
      tpu.enqueue_indirect_dma source(%dma_start3A_129 : memref<1000000x32xf32, #tpu.memory_space<hbm>>) target(%dma_start3A_123 : memref<128x32xf32, #tpu.memory_space<vmem>>) offsets(%dma_start3A_126 : memref<128xi32, #tpu.memory_space<vmem>>) semaphore(%dma_start3A_131 : memref<!tpu.dma_semaphore, #tpu.memory_space<semaphore_mem>>)
      %dma_start3A_132 = arith.constant 0 : i32
      %dma_start3A_133 = arith.constant 2 : i32
      %dma_start3A_134 = arith.constant 0 : i32
      %dma_start3A_135 = arith.constant 0 : i32
      %dma_start3A_136 = arith.constant 0 : i32
      %dma_start3A_137 = arith.constant 0 : i32
      %dma_start3A_138 = tpu.memref_slice %arg6[%dma_start3A_134, %dma_start3A_136, %dma_start3A_137] : memref<2x1280x32xf32, #tpu.memory_space<vmem>> -> memref<1x1280x32xf32, #tpu.memory_space<vmem>>
      %dma_start3A_139 = tpu.memref_squeeze %dma_start3A_138 : memref<1x1280x32xf32, #tpu.memory_space<vmem>> -> memref<1280x32xf32, #tpu.memory_space<vmem>>
      %dma_start3A_140 = arith.constant 256 : i32
      %dma_start3A_141 = arith.constant 0 : i32
      %dma_start3A_142 = tpu.memref_slice %dma_start3A_139[%dma_start3A_140, %dma_start3A_141] : memref<1280x32xf32, #tpu.memory_space<vmem>> -> memref<128x32xf32, #tpu.memory_space<vmem>>
      %dma_start3A_143 = arith.constant 0 : i32
      %dma_start3A_144 = tpu.memref_slice %arg5[%dma_start3A_132, %dma_start3A_133, %dma_start3A_143] : memref<2x10x128xi32, #tpu.memory_space<vmem>> -> memref<1x1x128xi32, #tpu.memory_space<vmem>>
      %dma_start3A_145 = tpu.memref_squeeze %dma_start3A_144 : memref<1x1x128xi32, #tpu.memory_space<vmem>> -> memref<128xi32, #tpu.memory_space<vmem>>
      %dma_start3A_146 = arith.constant 0 : i32
      %dma_start3A_147 = arith.constant 0 : i32
      %dma_start3A_148 = tpu.memref_slice %arg3[%dma_start3A_146, %dma_start3A_147] : memref<1000000x32xf32, #tpu.memory_space<hbm>> -> memref<1000000x32xf32, #tpu.memory_space<hbm>>
      %dma_start3A_149 = tpu.memref_slice %arg8[%dma_start3A_135] : memref<2x!tpu.dma_semaphore, #tpu.memory_space<semaphore_mem>> -> memref<1x!tpu.dma_semaphore, #tpu.memory_space<semaphore_mem>>
      %dma_start3A_150 = tpu.memref_squeeze %dma_start3A_149 : memref<1x!tpu.dma_semaphore, #tpu.memory_space<semaphore_mem>> -> memref<!tpu.dma_semaphore, #tpu.memory_space<semaphore_mem>>
      tpu.enqueue_indirect_dma source(%dma_start3A_148 : memref<1000000x32xf32, #tpu.memory_space<hbm>>) target(%dma_start3A_142 : memref<128x32xf32, #tpu.memory_space<vmem>>) offsets(%dma_start3A_145 : memref<128xi32, #tpu.memory_space<vmem>>) semaphore(%dma_start3A_150 : memref<!tpu.dma_semaphore, #tpu.memory_space<semaphore_mem>>)
      %dma_start3A_151 = arith.constant 0 : i32
      %dma_start3A_152 = arith.constant 3 : i32
      %dma_start3A_153 = arith.constant 0 : i32
      %dma_start3A_154 = arith.constant 0 : i32
      %dma_start3A_155 = arith.constant 0 : i32
      %dma_start3A_156 = arith.constant 0 : i32
      %dma_start3A_157 = tpu.memref_slice %arg6[%dma_start3A_153, %dma_start3A_155, %dma_start3A_156] : memref<2x1280x32xf32, #tpu.memory_space<vmem>> -> memref<1x1280x32xf32, #tpu.memory_space<vmem>>
      %dma_start3A_158 = tpu.memref_squeeze %dma_start3A_157 : memref<1x1280x32xf32, #tpu.memory_space<vmem>> -> memref<1280x32xf32, #tpu.memory_space<vmem>>
      %dma_start3A_159 = arith.constant 384 : i32
      %dma_start3A_160 = arith.constant 0 : i32
      %dma_start3A_161 = tpu.memref_slice %dma_start3A_158[%dma_start3A_159, %dma_start3A_160] : memref<1280x32xf32, #tpu.memory_space<vmem>> -> memref<128x32xf32, #tpu.memory_space<vmem>>
      %dma_start3A_162 = arith.constant 0 : i32
      %dma_start3A_163 = tpu.memref_slice %arg5[%dma_start3A_151, %dma_start3A_152, %dma_start3A_162] : memref<2x10x128xi32, #tpu.memory_space<vmem>> -> memref<1x1x128xi32, #tpu.memory_space<vmem>>
      %dma_start3A_164 = tpu.memref_squeeze %dma_start3A_163 : memref<1x1x128xi32, #tpu.memory_space<vmem>> -> memref<128xi32, #tpu.memory_space<vmem>>
      %dma_start3A_165 = arith.constant 0 : i32
      %dma_start3A_166 = arith.constant 0 : i32
      %dma_start3A_167 = tpu.memref_slice %arg3[%dma_start3A_165, %dma_start3A_166] : memref<1000000x32xf32, #tpu.memory_space<hbm>> -> memref<1000000x32xf32, #tpu.memory_space<hbm>>
      %dma_start3A_168 = tpu.memref_slice %arg8[%dma_start3A_154] : memref<2x!tpu.dma_semaphore, #tpu.memory_space<semaphore_mem>> -> memref<1x!tpu.dma_semaphore, #tpu.memory_space<semaphore_mem>>
      %dma_start3A_169 = tpu.memref_squeeze %dma_start3A_168 : memref<1x!tpu.dma_semaphore, #tpu.memory_space<semaphore_mem>> -> memref<!tpu.dma_semaphore, #tpu.memory_space<semaphore_mem>>
      tpu.enqueue_indirect_dma source(%dma_start3A_167 : memref<1000000x32xf32, #tpu.memory_space<hbm>>) target(%dma_start3A_161 : memref<128x32xf32, #tpu.memory_space<vmem>>) offsets(%dma_start3A_164 : memref<128xi32, #tpu.memory_space<vmem>>) semaphore(%dma_start3A_169 : memref<!tpu.dma_semaphore, #tpu.memory_space<semaphore_mem>>)
      %dma_start3A_170 = arith.constant 0 : i32
      %dma_start3A_171 = arith.constant 4 : i32
      %dma_start3A_172 = arith.constant 0 : i32
      %dma_start3A_173 = arith.constant 0 : i32
      %dma_start3A_174 = arith.constant 0 : i32
      %dma_start3A_175 = arith.constant 0 : i32
      %dma_start3A_176 = tpu.memref_slice %arg6[%dma_start3A_172, %dma_start3A_174, %dma_start3A_175] : memref<2x1280x32xf32, #tpu.memory_space<vmem>> -> memref<1x1280x32xf32, #tpu.memory_space<vmem>>
      %dma_start3A_177 = tpu.memref_squeeze %dma_start3A_176 : memref<1x1280x32xf32, #tpu.memory_space<vmem>> -> memref<1280x32xf32, #tpu.memory_space<vmem>>
      %dma_start3A_178 = arith.constant 512 : i32
      %dma_start3A_179 = arith.constant 0 : i32
      %dma_start3A_180 = tpu.memref_slice %dma_start3A_177[%dma_start3A_178, %dma_start3A_179] : memref<1280x32xf32, #tpu.memory_space<vmem>> -> memref<128x32xf32, #tpu.memory_space<vmem>>
      %dma_start3A_181 = arith.constant 0 : i32
      %dma_start3A_182 = tpu.memref_slice %arg5[%dma_start3A_170, %dma_start3A_171, %dma_start3A_181] : memref<2x10x128xi32, #tpu.memory_space<vmem>> -> memref<1x1x128xi32, #tpu.memory_space<vmem>>
      %dma_start3A_183 = tpu.memref_squeeze %dma_start3A_182 : memref<1x1x128xi32, #tpu.memory_space<vmem>> -> memref<128xi32, #tpu.memory_space<vmem>>
      %dma_start3A_184 = arith.constant 0 : i32
      %dma_start3A_185 = arith.constant 0 : i32
      %dma_start3A_186 = tpu.memref_slice %arg3[%dma_start3A_184, %dma_start3A_185] : memref<1000000x32xf32, #tpu.memory_space<hbm>> -> memref<1000000x32xf32, #tpu.memory_space<hbm>>
      %dma_start3A_187 = tpu.memref_slice %arg8[%dma_start3A_173] : memref<2x!tpu.dma_semaphore, #tpu.memory_space<semaphore_mem>> -> memref<1x!tpu.dma_semaphore, #tpu.memory_space<semaphore_mem>>
      %dma_start3A_188 = tpu.memref_squeeze %dma_start3A_187 : memref<1x!tpu.dma_semaphore, #tpu.memory_space<semaphore_mem>> -> memref<!tpu.dma_semaphore, #tpu.memory_space<semaphore_mem>>
      tpu.enqueue_indirect_dma source(%dma_start3A_186 : memref<1000000x32xf32, #tpu.memory_space<hbm>>) target(%dma_start3A_180 : memref<128x32xf32, #tpu.memory_space<vmem>>) offsets(%dma_start3A_183 : memref<128xi32, #tpu.memory_space<vmem>>) semaphore(%dma_start3A_188 : memref<!tpu.dma_semaphore, #tpu.memory_space<semaphore_mem>>)
      %dma_start3A_189 = arith.constant 0 : i32
      %dma_start3A_190 = arith.constant 5 : i32
      %dma_start3A_191 = arith.constant 0 : i32
      %dma_start3A_192 = arith.constant 0 : i32
      %dma_start3A_193 = arith.constant 0 : i32
      %dma_start3A_194 = arith.constant 0 : i32
      %dma_start3A_195 = tpu.memref_slice %arg6[%dma_start3A_191, %dma_start3A_193, %dma_start3A_194] : memref<2x1280x32xf32, #tpu.memory_space<vmem>> -> memref<1x1280x32xf32, #tpu.memory_space<vmem>>
      %dma_start3A_196 = tpu.memref_squeeze %dma_start3A_195 : memref<1x1280x32xf32, #tpu.memory_space<vmem>> -> memref<1280x32xf32, #tpu.memory_space<vmem>>
      %dma_start3A_197 = arith.constant 640 : i32
      %dma_start3A_198 = arith.constant 0 : i32
      %dma_start3A_199 = tpu.memref_slice %dma_start3A_196[%dma_start3A_197, %dma_start3A_198] : memref<1280x32xf32, #tpu.memory_space<vmem>> -> memref<128x32xf32, #tpu.memory_space<vmem>>
      %dma_start3A_200 = arith.constant 0 : i32
      %dma_start3A_201 = tpu.memref_slice %arg5[%dma_start3A_189, %dma_start3A_190, %dma_start3A_200] : memref<2x10x128xi32, #tpu.memory_space<vmem>> -> memref<1x1x128xi32, #tpu.memory_space<vmem>>
      %dma_start3A_202 = tpu.memref_squeeze %dma_start3A_201 : memref<1x1x128xi32, #tpu.memory_space<vmem>> -> memref<128xi32, #tpu.memory_space<vmem>>
      %dma_start3A_203 = arith.constant 0 : i32
      %dma_start3A_204 = arith.constant 0 : i32
      %dma_start3A_205 = tpu.memref_slice %arg3[%dma_start3A_203, %dma_start3A_204] : memref<1000000x32xf32, #tpu.memory_space<hbm>> -> memref<1000000x32xf32, #tpu.memory_space<hbm>>
      %dma_start3A_206 = tpu.memref_slice %arg8[%dma_start3A_192] : memref<2x!tpu.dma_semaphore, #tpu.memory_space<semaphore_mem>> -> memref<1x!tpu.dma_semaphore, #tpu.memory_space<semaphore_mem>>
      %dma_start3A_207 = tpu.memref_squeeze %dma_start3A_206 : memref<1x!tpu.dma_semaphore, #tpu.memory_space<semaphore_mem>> -> memref<!tpu.dma_semaphore, #tpu.memory_space<semaphore_mem>>
      tpu.enqueue_indirect_dma source(%dma_start3A_205 : memref<1000000x32xf32, #tpu.memory_space<hbm>>) target(%dma_start3A_199 : memref<128x32xf32, #tpu.memory_space<vmem>>) offsets(%dma_start3A_202 : memref<128xi32, #tpu.memory_space<vmem>>) semaphore(%dma_start3A_207 : memref<!tpu.dma_semaphore, #tpu.memory_space<semaphore_mem>>)
      %dma_start3A_208 = arith.constant 0 : i32
      %dma_start3A_209 = arith.constant 6 : i32
      %dma_start3A_210 = arith.constant 0 : i32
      %dma_start3A_211 = arith.constant 0 : i32
      %dma_start3A_212 = arith.constant 0 : i32
      %dma_start3A_213 = arith.constant 0 : i32
      %dma_start3A_214 = tpu.memref_slice %arg6[%dma_start3A_210, %dma_start3A_212, %dma_start3A_213] : memref<2x1280x32xf32, #tpu.memory_space<vmem>> -> memref<1x1280x32xf32, #tpu.memory_space<vmem>>
      %dma_start3A_215 = tpu.memref_squeeze %dma_start3A_214 : memref<1x1280x32xf32, #tpu.memory_space<vmem>> -> memref<1280x32xf32, #tpu.memory_space<vmem>>
      %dma_start3A_216 = arith.constant 768 : i32
      %dma_start3A_217 = arith.constant 0 : i32
      %dma_start3A_218 = tpu.memref_slice %dma_start3A_215[%dma_start3A_216, %dma_start3A_217] : memref<1280x32xf32, #tpu.memory_space<vmem>> -> memref<128x32xf32, #tpu.memory_space<vmem>>
      %dma_start3A_219 = arith.constant 0 : i32
      %dma_start3A_220 = tpu.memref_slice %arg5[%dma_start3A_208, %dma_start3A_209, %dma_start3A_219] : memref<2x10x128xi32, #tpu.memory_space<vmem>> -> memref<1x1x128xi32, #tpu.memory_space<vmem>>
      %dma_start3A_221 = tpu.memref_squeeze %dma_start3A_220 : memref<1x1x128xi32, #tpu.memory_space<vmem>> -> memref<128xi32, #tpu.memory_space<vmem>>
      %dma_start3A_222 = arith.constant 0 : i32
      %dma_start3A_223 = arith.constant 0 : i32
      %dma_start3A_224 = tpu.memref_slice %arg3[%dma_start3A_222, %dma_start3A_223] : memref<1000000x32xf32, #tpu.memory_space<hbm>> -> memref<1000000x32xf32, #tpu.memory_space<hbm>>
      %dma_start3A_225 = tpu.memref_slice %arg8[%dma_start3A_211] : memref<2x!tpu.dma_semaphore, #tpu.memory_space<semaphore_mem>> -> memref<1x!tpu.dma_semaphore, #tpu.memory_space<semaphore_mem>>
      %dma_start3A_226 = tpu.memref_squeeze %dma_start3A_225 : memref<1x!tpu.dma_semaphore, #tpu.memory_space<semaphore_mem>> -> memref<!tpu.dma_semaphore, #tpu.memory_space<semaphore_mem>>
      tpu.enqueue_indirect_dma source(%dma_start3A_224 : memref<1000000x32xf32, #tpu.memory_space<hbm>>) target(%dma_start3A_218 : memref<128x32xf32, #tpu.memory_space<vmem>>) offsets(%dma_start3A_221 : memref<128xi32, #tpu.memory_space<vmem>>) semaphore(%dma_start3A_226 : memref<!tpu.dma_semaphore, #tpu.memory_space<semaphore_mem>>)
      %dma_start3A_227 = arith.constant 0 : i32
      %dma_start3A_228 = arith.constant 7 : i32
      %dma_start3A_229 = arith.constant 0 : i32
      %dma_start3A_230 = arith.constant 0 : i32
      %dma_start3A_231 = arith.constant 0 : i32
      %dma_start3A_232 = arith.constant 0 : i32
      %dma_start3A_233 = tpu.memref_slice %arg6[%dma_start3A_229, %dma_start3A_231, %dma_start3A_232] : memref<2x1280x32xf32, #tpu.memory_space<vmem>> -> memref<1x1280x32xf32, #tpu.memory_space<vmem>>
      %dma_start3A_234 = tpu.memref_squeeze %dma_start3A_233 : memref<1x1280x32xf32, #tpu.memory_space<vmem>> -> memref<1280x32xf32, #tpu.memory_space<vmem>>
      %dma_start3A_235 = arith.constant 896 : i32
      %dma_start3A_236 = arith.constant 0 : i32
      %dma_start3A_237 = tpu.memref_slice %dma_start3A_234[%dma_start3A_235, %dma_start3A_236] : memref<1280x32xf32, #tpu.memory_space<vmem>> -> memref<128x32xf32, #tpu.memory_space<vmem>>
      %dma_start3A_238 = arith.constant 0 : i32
      %dma_start3A_239 = tpu.memref_slice %arg5[%dma_start3A_227, %dma_start3A_228, %dma_start3A_238] : memref<2x10x128xi32, #tpu.memory_space<vmem>> -> memref<1x1x128xi32, #tpu.memory_space<vmem>>
      %dma_start3A_240 = tpu.memref_squeeze %dma_start3A_239 : memref<1x1x128xi32, #tpu.memory_space<vmem>> -> memref<128xi32, #tpu.memory_space<vmem>>
      %dma_start3A_241 = arith.constant 0 : i32
      %dma_start3A_242 = arith.constant 0 : i32
      %dma_start3A_243 = tpu.memref_slice %arg3[%dma_start3A_241, %dma_start3A_242] : memref<1000000x32xf32, #tpu.memory_space<hbm>> -> memref<1000000x32xf32, #tpu.memory_space<hbm>>
      %dma_start3A_244 = tpu.memref_slice %arg8[%dma_start3A_230] : memref<2x!tpu.dma_semaphore, #tpu.memory_space<semaphore_mem>> -> memref<1x!tpu.dma_semaphore, #tpu.memory_space<semaphore_mem>>
      %dma_start3A_245 = tpu.memref_squeeze %dma_start3A_244 : memref<1x!tpu.dma_semaphore, #tpu.memory_space<semaphore_mem>> -> memref<!tpu.dma_semaphore, #tpu.memory_space<semaphore_mem>>
      tpu.enqueue_indirect_dma source(%dma_start3A_243 : memref<1000000x32xf32, #tpu.memory_space<hbm>>) target(%dma_start3A_237 : memref<128x32xf32, #tpu.memory_space<vmem>>) offsets(%dma_start3A_240 : memref<128xi32, #tpu.memory_space<vmem>>) semaphore(%dma_start3A_245 : memref<!tpu.dma_semaphore, #tpu.memory_space<semaphore_mem>>)
      %dma_start3A_246 = arith.constant 0 : i32
      %dma_start3A_247 = arith.constant 8 : i32
      %dma_start3A_248 = arith.constant 0 : i32
      %dma_start3A_249 = arith.constant 0 : i32
      %dma_start3A_250 = arith.constant 0 : i32
      %dma_start3A_251 = arith.constant 0 : i32
      %dma_start3A_252 = tpu.memref_slice %arg6[%dma_start3A_248, %dma_start3A_250, %dma_start3A_251] : memref<2x1280x32xf32, #tpu.memory_space<vmem>> -> memref<1x1280x32xf32, #tpu.memory_space<vmem>>
      %dma_start3A_253 = tpu.memref_squeeze %dma_start3A_252 : memref<1x1280x32xf32, #tpu.memory_space<vmem>> -> memref<1280x32xf32, #tpu.memory_space<vmem>>
      %dma_start3A_254 = arith.constant 1024 : i32
      %dma_start3A_255 = arith.constant 0 : i32
      %dma_start3A_256 = tpu.memref_slice %dma_start3A_253[%dma_start3A_254, %dma_start3A_255] : memref<1280x32xf32, #tpu.memory_space<vmem>> -> memref<128x32xf32, #tpu.memory_space<vmem>>
      %dma_start3A_257 = arith.constant 0 : i32
      %dma_start3A_258 = tpu.memref_slice %arg5[%dma_start3A_246, %dma_start3A_247, %dma_start3A_257] : memref<2x10x128xi32, #tpu.memory_space<vmem>> -> memref<1x1x128xi32, #tpu.memory_space<vmem>>
      %dma_start3A_259 = tpu.memref_squeeze %dma_start3A_258 : memref<1x1x128xi32, #tpu.memory_space<vmem>> -> memref<128xi32, #tpu.memory_space<vmem>>
      %dma_start3A_260 = arith.constant 0 : i32
      %dma_start3A_261 = arith.constant 0 : i32
      %dma_start3A_262 = tpu.memref_slice %arg3[%dma_start3A_260, %dma_start3A_261] : memref<1000000x32xf32, #tpu.memory_space<hbm>> -> memref<1000000x32xf32, #tpu.memory_space<hbm>>
      %dma_start3A_263 = tpu.memref_slice %arg8[%dma_start3A_249] : memref<2x!tpu.dma_semaphore, #tpu.memory_space<semaphore_mem>> -> memref<1x!tpu.dma_semaphore, #tpu.memory_space<semaphore_mem>>
      %dma_start3A_264 = tpu.memref_squeeze %dma_start3A_263 : memref<1x!tpu.dma_semaphore, #tpu.memory_space<semaphore_mem>> -> memref<!tpu.dma_semaphore, #tpu.memory_space<semaphore_mem>>
      tpu.enqueue_indirect_dma source(%dma_start3A_262 : memref<1000000x32xf32, #tpu.memory_space<hbm>>) target(%dma_start3A_256 : memref<128x32xf32, #tpu.memory_space<vmem>>) offsets(%dma_start3A_259 : memref<128xi32, #tpu.memory_space<vmem>>) semaphore(%dma_start3A_264 : memref<!tpu.dma_semaphore, #tpu.memory_space<semaphore_mem>>)
      %dma_start3A_265 = arith.constant 0 : i32
      %dma_start3A_266 = arith.constant 9 : i32
      %dma_start3A_267 = arith.constant 0 : i32
      %dma_start3A_268 = arith.constant 0 : i32
      %dma_start3A_269 = arith.constant 0 : i32
      %dma_start3A_270 = arith.constant 0 : i32
      %dma_start3A_271 = tpu.memref_slice %arg6[%dma_start3A_267, %dma_start3A_269, %dma_start3A_270] : memref<2x1280x32xf32, #tpu.memory_space<vmem>> -> memref<1x1280x32xf32, #tpu.memory_space<vmem>>
      %dma_start3A_272 = tpu.memref_squeeze %dma_start3A_271 : memref<1x1280x32xf32, #tpu.memory_space<vmem>> -> memref<1280x32xf32, #tpu.memory_space<vmem>>
      %dma_start3A_273 = arith.constant 1152 : i32
      %dma_start3A_274 = arith.constant 0 : i32
      %dma_start3A_275 = tpu.memref_slice %dma_start3A_272[%dma_start3A_273, %dma_start3A_274] : memref<1280x32xf32, #tpu.memory_space<vmem>> -> memref<128x32xf32, #tpu.memory_space<vmem>>
      %dma_start3A_276 = arith.constant 0 : i32
      %dma_start3A_277 = tpu.memref_slice %arg5[%dma_start3A_265, %dma_start3A_266, %dma_start3A_276] : memref<2x10x128xi32, #tpu.memory_space<vmem>> -> memref<1x1x128xi32, #tpu.memory_space<vmem>>
      %dma_start3A_278 = tpu.memref_squeeze %dma_start3A_277 : memref<1x1x128xi32, #tpu.memory_space<vmem>> -> memref<128xi32, #tpu.memory_space<vmem>>
      %dma_start3A_279 = arith.constant 0 : i32
      %dma_start3A_280 = arith.constant 0 : i32
      %dma_start3A_281 = tpu.memref_slice %arg3[%dma_start3A_279, %dma_start3A_280] : memref<1000000x32xf32, #tpu.memory_space<hbm>> -> memref<1000000x32xf32, #tpu.memory_space<hbm>>
      %dma_start3A_282 = tpu.memref_slice %arg8[%dma_start3A_268] : memref<2x!tpu.dma_semaphore, #tpu.memory_space<semaphore_mem>> -> memref<1x!tpu.dma_semaphore, #tpu.memory_space<semaphore_mem>>
      %dma_start3A_283 = tpu.memref_squeeze %dma_start3A_282 : memref<1x!tpu.dma_semaphore, #tpu.memory_space<semaphore_mem>> -> memref<!tpu.dma_semaphore, #tpu.memory_space<semaphore_mem>>
      tpu.enqueue_indirect_dma source(%dma_start3A_281 : memref<1000000x32xf32, #tpu.memory_space<hbm>>) target(%dma_start3A_275 : memref<128x32xf32, #tpu.memory_space<vmem>>) offsets(%dma_start3A_278 : memref<128xi32, #tpu.memory_space<vmem>>) semaphore(%dma_start3A_283 : memref<!tpu.dma_semaphore, #tpu.memory_space<semaphore_mem>>)
      %dma_wait3A_284 = arith.constant 0 : i32
      %dma_wait3A_285 = arith.constant 0 : i32
      %dma_wait3A_286 = arith.constant 0 : i32
      %dma_wait3A_287 = arith.constant 0 : i32
      %dma_wait3A_288 = arith.constant 0 : i32
      %dma_wait3A_289 = arith.constant 0 : i32
      %dma_wait3A_290 = tpu.memref_slice %arg6[%dma_wait3A_286, %dma_wait3A_288, %dma_wait3A_289] : memref<2x1280x32xf32, #tpu.memory_space<vmem>> -> memref<1x1280x32xf32, #tpu.memory_space<vmem>>
      %dma_wait3A_291 = tpu.memref_squeeze %dma_wait3A_290 : memref<1x1280x32xf32, #tpu.memory_space<vmem>> -> memref<1280x32xf32, #tpu.memory_space<vmem>>
      %dma_wait3A_292 = arith.constant 0 : i32
      %dma_wait3A_293 = arith.constant 0 : i32
      %dma_wait3A_294 = tpu.memref_slice %dma_wait3A_291[%dma_wait3A_292, %dma_wait3A_293] : memref<1280x32xf32, #tpu.memory_space<vmem>> -> memref<128x32xf32, #tpu.memory_space<vmem>>
      %dma_wait3A_295 = arith.constant 0 : i32
      %dma_wait3A_296 = tpu.memref_slice %arg5[%dma_wait3A_284, %dma_wait3A_285, %dma_wait3A_295] : memref<2x10x128xi32, #tpu.memory_space<vmem>> -> memref<1x1x128xi32, #tpu.memory_space<vmem>>
      %dma_wait3A_297 = tpu.memref_squeeze %dma_wait3A_296 : memref<1x1x128xi32, #tpu.memory_space<vmem>> -> memref<128xi32, #tpu.memory_space<vmem>>
      %dma_wait3A_298 = arith.constant 0 : i32
      %dma_wait3A_299 = arith.constant 0 : i32
      %dma_wait3A_300 = tpu.memref_slice %arg3[%dma_wait3A_298, %dma_wait3A_299] : memref<1000000x32xf32, #tpu.memory_space<hbm>> -> memref<1000000x32xf32, #tpu.memory_space<hbm>>
      %dma_wait3A_301 = tpu.memref_slice %arg8[%dma_wait3A_287] : memref<2x!tpu.dma_semaphore, #tpu.memory_space<semaphore_mem>> -> memref<1x!tpu.dma_semaphore, #tpu.memory_space<semaphore_mem>>
      %dma_wait3A_302 = tpu.memref_squeeze %dma_wait3A_301 : memref<1x!tpu.dma_semaphore, #tpu.memory_space<semaphore_mem>> -> memref<!tpu.dma_semaphore, #tpu.memory_space<semaphore_mem>>
      tpu.wait_indirect_dma semaphore(%dma_wait3A_302 : memref<!tpu.dma_semaphore, #tpu.memory_space<semaphore_mem>>) src(%dma_wait3A_300 : memref<1000000x32xf32, #tpu.memory_space<hbm>>) dst(%dma_wait3A_294 : memref<128x32xf32, #tpu.memory_space<vmem>>)
      %dma_wait3A_303 = arith.constant 0 : i32
      %dma_wait3A_304 = arith.constant 1 : i32
      %dma_wait3A_305 = arith.constant 0 : i32
      %dma_wait3A_306 = arith.constant 0 : i32
      %dma_wait3A_307 = arith.constant 0 : i32
      %dma_wait3A_308 = arith.constant 0 : i32
      %dma_wait3A_309 = tpu.memref_slice %arg6[%dma_wait3A_305, %dma_wait3A_307, %dma_wait3A_308] : memref<2x1280x32xf32, #tpu.memory_space<vmem>> -> memref<1x1280x32xf32, #tpu.memory_space<vmem>>
      %dma_wait3A_310 = tpu.memref_squeeze %dma_wait3A_309 : memref<1x1280x32xf32, #tpu.memory_space<vmem>> -> memref<1280x32xf32, #tpu.memory_space<vmem>>
      %dma_wait3A_311 = arith.constant 128 : i32
      %dma_wait3A_312 = arith.constant 0 : i32
      %dma_wait3A_313 = tpu.memref_slice %dma_wait3A_310[%dma_wait3A_311, %dma_wait3A_312] : memref<1280x32xf32, #tpu.memory_space<vmem>> -> memref<128x32xf32, #tpu.memory_space<vmem>>
      %dma_wait3A_314 = arith.constant 0 : i32
      %dma_wait3A_315 = tpu.memref_slice %arg5[%dma_wait3A_303, %dma_wait3A_304, %dma_wait3A_314] : memref<2x10x128xi32, #tpu.memory_space<vmem>> -> memref<1x1x128xi32, #tpu.memory_space<vmem>>
      %dma_wait3A_316 = tpu.memref_squeeze %dma_wait3A_315 : memref<1x1x128xi32, #tpu.memory_space<vmem>> -> memref<128xi32, #tpu.memory_space<vmem>>
      %dma_wait3A_317 = arith.constant 0 : i32
      %dma_wait3A_318 = arith.constant 0 : i32
      %dma_wait3A_319 = tpu.memref_slice %arg3[%dma_wait3A_317, %dma_wait3A_318] : memref<1000000x32xf32, #tpu.memory_space<hbm>> -> memref<1000000x32xf32, #tpu.memory_space<hbm>>
      %dma_wait3A_320 = tpu.memref_slice %arg8[%dma_wait3A_306] : memref<2x!tpu.dma_semaphore, #tpu.memory_space<semaphore_mem>> -> memref<1x!tpu.dma_semaphore, #tpu.memory_space<semaphore_mem>>
      %dma_wait3A_321 = tpu.memref_squeeze %dma_wait3A_320 : memref<1x!tpu.dma_semaphore, #tpu.memory_space<semaphore_mem>> -> memref<!tpu.dma_semaphore, #tpu.memory_space<semaphore_mem>>
      tpu.wait_indirect_dma semaphore(%dma_wait3A_321 : memref<!tpu.dma_semaphore, #tpu.memory_space<semaphore_mem>>) src(%dma_wait3A_319 : memref<1000000x32xf32, #tpu.memory_space<hbm>>) dst(%dma_wait3A_313 : memref<128x32xf32, #tpu.memory_space<vmem>>)
      %dma_wait3A_322 = arith.constant 0 : i32
      %dma_wait3A_323 = arith.constant 2 : i32
      %dma_wait3A_324 = arith.constant 0 : i32
      %dma_wait3A_325 = arith.constant 0 : i32
      %dma_wait3A_326 = arith.constant 0 : i32
      %dma_wait3A_327 = arith.constant 0 : i32
      %dma_wait3A_328 = tpu.memref_slice %arg6[%dma_wait3A_324, %dma_wait3A_326, %dma_wait3A_327] : memref<2x1280x32xf32, #tpu.memory_space<vmem>> -> memref<1x1280x32xf32, #tpu.memory_space<vmem>>
      %dma_wait3A_329 = tpu.memref_squeeze %dma_wait3A_328 : memref<1x1280x32xf32, #tpu.memory_space<vmem>> -> memref<1280x32xf32, #tpu.memory_space<vmem>>
      %dma_wait3A_330 = arith.constant 256 : i32
      %dma_wait3A_331 = arith.constant 0 : i32
      %dma_wait3A_332 = tpu.memref_slice %dma_wait3A_329[%dma_wait3A_330, %dma_wait3A_331] : memref<1280x32xf32, #tpu.memory_space<vmem>> -> memref<128x32xf32, #tpu.memory_space<vmem>>
      %dma_wait3A_333 = arith.constant 0 : i32
      %dma_wait3A_334 = tpu.memref_slice %arg5[%dma_wait3A_322, %dma_wait3A_323, %dma_wait3A_333] : memref<2x10x128xi32, #tpu.memory_space<vmem>> -> memref<1x1x128xi32, #tpu.memory_space<vmem>>
      %dma_wait3A_335 = tpu.memref_squeeze %dma_wait3A_334 : memref<1x1x128xi32, #tpu.memory_space<vmem>> -> memref<128xi32, #tpu.memory_space<vmem>>
      %dma_wait3A_336 = arith.constant 0 : i32
      %dma_wait3A_337 = arith.constant 0 : i32
      %dma_wait3A_338 = tpu.memref_slice %arg3[%dma_wait3A_336, %dma_wait3A_337] : memref<1000000x32xf32, #tpu.memory_space<hbm>> -> memref<1000000x32xf32, #tpu.memory_space<hbm>>
      %dma_wait3A_339 = tpu.memref_slice %arg8[%dma_wait3A_325] : memref<2x!tpu.dma_semaphore, #tpu.memory_space<semaphore_mem>> -> memref<1x!tpu.dma_semaphore, #tpu.memory_space<semaphore_mem>>
      %dma_wait3A_340 = tpu.memref_squeeze %dma_wait3A_339 : memref<1x!tpu.dma_semaphore, #tpu.memory_space<semaphore_mem>> -> memref<!tpu.dma_semaphore, #tpu.memory_space<semaphore_mem>>
      tpu.wait_indirect_dma semaphore(%dma_wait3A_340 : memref<!tpu.dma_semaphore, #tpu.memory_space<semaphore_mem>>) src(%dma_wait3A_338 : memref<1000000x32xf32, #tpu.memory_space<hbm>>) dst(%dma_wait3A_332 : memref<128x32xf32, #tpu.memory_space<vmem>>)
      %dma_wait3A_341 = arith.constant 0 : i32
      %dma_wait3A_342 = arith.constant 3 : i32
      %dma_wait3A_343 = arith.constant 0 : i32
      %dma_wait3A_344 = arith.constant 0 : i32
      %dma_wait3A_345 = arith.constant 0 : i32
      %dma_wait3A_346 = arith.constant 0 : i32
      %dma_wait3A_347 = tpu.memref_slice %arg6[%dma_wait3A_343, %dma_wait3A_345, %dma_wait3A_346] : memref<2x1280x32xf32, #tpu.memory_space<vmem>> -> memref<1x1280x32xf32, #tpu.memory_space<vmem>>
      %dma_wait3A_348 = tpu.memref_squeeze %dma_wait3A_347 : memref<1x1280x32xf32, #tpu.memory_space<vmem>> -> memref<1280x32xf32, #tpu.memory_space<vmem>>
      %dma_wait3A_349 = arith.constant 384 : i32
      %dma_wait3A_350 = arith.constant 0 : i32
      %dma_wait3A_351 = tpu.memref_slice %dma_wait3A_348[%dma_wait3A_349, %dma_wait3A_350] : memref<1280x32xf32, #tpu.memory_space<vmem>> -> memref<128x32xf32, #tpu.memory_space<vmem>>
      %dma_wait3A_352 = arith.constant 0 : i32
      %dma_wait3A_353 = tpu.memref_slice %arg5[%dma_wait3A_341, %dma_wait3A_342, %dma_wait3A_352] : memref<2x10x128xi32, #tpu.memory_space<vmem>> -> memref<1x1x128xi32, #tpu.memory_space<vmem>>
      %dma_wait3A_354 = tpu.memref_squeeze %dma_wait3A_353 : memref<1x1x128xi32, #tpu.memory_space<vmem>> -> memref<128xi32, #tpu.memory_space<vmem>>
      %dma_wait3A_355 = arith.constant 0 : i32
      %dma_wait3A_356 = arith.constant 0 : i32
      %dma_wait3A_357 = tpu.memref_slice %arg3[%dma_wait3A_355, %dma_wait3A_356] : memref<1000000x32xf32, #tpu.memory_space<hbm>> -> memref<1000000x32xf32, #tpu.memory_space<hbm>>
      %dma_wait3A_358 = tpu.memref_slice %arg8[%dma_wait3A_344] : memref<2x!tpu.dma_semaphore, #tpu.memory_space<semaphore_mem>> -> memref<1x!tpu.dma_semaphore, #tpu.memory_space<semaphore_mem>>
      %dma_wait3A_359 = tpu.memref_squeeze %dma_wait3A_358 : memref<1x!tpu.dma_semaphore, #tpu.memory_space<semaphore_mem>> -> memref<!tpu.dma_semaphore, #tpu.memory_space<semaphore_mem>>
      tpu.wait_indirect_dma semaphore(%dma_wait3A_359 : memref<!tpu.dma_semaphore, #tpu.memory_space<semaphore_mem>>) src(%dma_wait3A_357 : memref<1000000x32xf32, #tpu.memory_space<hbm>>) dst(%dma_wait3A_351 : memref<128x32xf32, #tpu.memory_space<vmem>>)
      %dma_wait3A_360 = arith.constant 0 : i32
      %dma_wait3A_361 = arith.constant 4 : i32
      %dma_wait3A_362 = arith.constant 0 : i32
      %dma_wait3A_363 = arith.constant 0 : i32
      %dma_wait3A_364 = arith.constant 0 : i32
      %dma_wait3A_365 = arith.constant 0 : i32
      %dma_wait3A_366 = tpu.memref_slice %arg6[%dma_wait3A_362, %dma_wait3A_364, %dma_wait3A_365] : memref<2x1280x32xf32, #tpu.memory_space<vmem>> -> memref<1x1280x32xf32, #tpu.memory_space<vmem>>
      %dma_wait3A_367 = tpu.memref_squeeze %dma_wait3A_366 : memref<1x1280x32xf32, #tpu.memory_space<vmem>> -> memref<1280x32xf32, #tpu.memory_space<vmem>>
      %dma_wait3A_368 = arith.constant 512 : i32
      %dma_wait3A_369 = arith.constant 0 : i32
      %dma_wait3A_370 = tpu.memref_slice %dma_wait3A_367[%dma_wait3A_368, %dma_wait3A_369] : memref<1280x32xf32, #tpu.memory_space<vmem>> -> memref<128x32xf32, #tpu.memory_space<vmem>>
      %dma_wait3A_371 = arith.constant 0 : i32
      %dma_wait3A_372 = tpu.memref_slice %arg5[%dma_wait3A_360, %dma_wait3A_361, %dma_wait3A_371] : memref<2x10x128xi32, #tpu.memory_space<vmem>> -> memref<1x1x128xi32, #tpu.memory_space<vmem>>
      %dma_wait3A_373 = tpu.memref_squeeze %dma_wait3A_372 : memref<1x1x128xi32, #tpu.memory_space<vmem>> -> memref<128xi32, #tpu.memory_space<vmem>>
      %dma_wait3A_374 = arith.constant 0 : i32
      %dma_wait3A_375 = arith.constant 0 : i32
      %dma_wait3A_376 = tpu.memref_slice %arg3[%dma_wait3A_374, %dma_wait3A_375] : memref<1000000x32xf32, #tpu.memory_space<hbm>> -> memref<1000000x32xf32, #tpu.memory_space<hbm>>
      %dma_wait3A_377 = tpu.memref_slice %arg8[%dma_wait3A_363] : memref<2x!tpu.dma_semaphore, #tpu.memory_space<semaphore_mem>> -> memref<1x!tpu.dma_semaphore, #tpu.memory_space<semaphore_mem>>
      %dma_wait3A_378 = tpu.memref_squeeze %dma_wait3A_377 : memref<1x!tpu.dma_semaphore, #tpu.memory_space<semaphore_mem>> -> memref<!tpu.dma_semaphore, #tpu.memory_space<semaphore_mem>>
      tpu.wait_indirect_dma semaphore(%dma_wait3A_378 : memref<!tpu.dma_semaphore, #tpu.memory_space<semaphore_mem>>) src(%dma_wait3A_376 : memref<1000000x32xf32, #tpu.memory_space<hbm>>) dst(%dma_wait3A_370 : memref<128x32xf32, #tpu.memory_space<vmem>>)
      %dma_wait3A_379 = arith.constant 0 : i32
      %dma_wait3A_380 = arith.constant 5 : i32
      %dma_wait3A_381 = arith.constant 0 : i32
      %dma_wait3A_382 = arith.constant 0 : i32
      %dma_wait3A_383 = arith.constant 0 : i32
      %dma_wait3A_384 = arith.constant 0 : i32
      %dma_wait3A_385 = tpu.memref_slice %arg6[%dma_wait3A_381, %dma_wait3A_383, %dma_wait3A_384] : memref<2x1280x32xf32, #tpu.memory_space<vmem>> -> memref<1x1280x32xf32, #tpu.memory_space<vmem>>
      %dma_wait3A_386 = tpu.memref_squeeze %dma_wait3A_385 : memref<1x1280x32xf32, #tpu.memory_space<vmem>> -> memref<1280x32xf32, #tpu.memory_space<vmem>>
      %dma_wait3A_387 = arith.constant 640 : i32
      %dma_wait3A_388 = arith.constant 0 : i32
      %dma_wait3A_389 = tpu.memref_slice %dma_wait3A_386[%dma_wait3A_387, %dma_wait3A_388] : memref<1280x32xf32, #tpu.memory_space<vmem>> -> memref<128x32xf32, #tpu.memory_space<vmem>>
      %dma_wait3A_390 = arith.constant 0 : i32
      %dma_wait3A_391 = tpu.memref_slice %arg5[%dma_wait3A_379, %dma_wait3A_380, %dma_wait3A_390] : memref<2x10x128xi32, #tpu.memory_space<vmem>> -> memref<1x1x128xi32, #tpu.memory_space<vmem>>
      %dma_wait3A_392 = tpu.memref_squeeze %dma_wait3A_391 : memref<1x1x128xi32, #tpu.memory_space<vmem>> -> memref<128xi32, #tpu.memory_space<vmem>>
      %dma_wait3A_393 = arith.constant 0 : i32
      %dma_wait3A_394 = arith.constant 0 : i32
      %dma_wait3A_395 = tpu.memref_slice %arg3[%dma_wait3A_393, %dma_wait3A_394] : memref<1000000x32xf32, #tpu.memory_space<hbm>> -> memref<1000000x32xf32, #tpu.memory_space<hbm>>
      %dma_wait3A_396 = tpu.memref_slice %arg8[%dma_wait3A_382] : memref<2x!tpu.dma_semaphore, #tpu.memory_space<semaphore_mem>> -> memref<1x!tpu.dma_semaphore, #tpu.memory_space<semaphore_mem>>
      %dma_wait3A_397 = tpu.memref_squeeze %dma_wait3A_396 : memref<1x!tpu.dma_semaphore, #tpu.memory_space<semaphore_mem>> -> memref<!tpu.dma_semaphore, #tpu.memory_space<semaphore_mem>>
      tpu.wait_indirect_dma semaphore(%dma_wait3A_397 : memref<!tpu.dma_semaphore, #tpu.memory_space<semaphore_mem>>) src(%dma_wait3A_395 : memref<1000000x32xf32, #tpu.memory_space<hbm>>) dst(%dma_wait3A_389 : memref<128x32xf32, #tpu.memory_space<vmem>>)
      %dma_wait3A_398 = arith.constant 0 : i32
      %dma_wait3A_399 = arith.constant 6 : i32
      %dma_wait3A_400 = arith.constant 0 : i32
      %dma_wait3A_401 = arith.constant 0 : i32
      %dma_wait3A_402 = arith.constant 0 : i32
      %dma_wait3A_403 = arith.constant 0 : i32
      %dma_wait3A_404 = tpu.memref_slice %arg6[%dma_wait3A_400, %dma_wait3A_402, %dma_wait3A_403] : memref<2x1280x32xf32, #tpu.memory_space<vmem>> -> memref<1x1280x32xf32, #tpu.memory_space<vmem>>
      %dma_wait3A_405 = tpu.memref_squeeze %dma_wait3A_404 : memref<1x1280x32xf32, #tpu.memory_space<vmem>> -> memref<1280x32xf32, #tpu.memory_space<vmem>>
      %dma_wait3A_406 = arith.constant 768 : i32
      %dma_wait3A_407 = arith.constant 0 : i32
      %dma_wait3A_408 = tpu.memref_slice %dma_wait3A_405[%dma_wait3A_406, %dma_wait3A_407] : memref<1280x32xf32, #tpu.memory_space<vmem>> -> memref<128x32xf32, #tpu.memory_space<vmem>>
      %dma_wait3A_409 = arith.constant 0 : i32
      %dma_wait3A_410 = tpu.memref_slice %arg5[%dma_wait3A_398, %dma_wait3A_399, %dma_wait3A_409] : memref<2x10x128xi32, #tpu.memory_space<vmem>> -> memref<1x1x128xi32, #tpu.memory_space<vmem>>
      %dma_wait3A_411 = tpu.memref_squeeze %dma_wait3A_410 : memref<1x1x128xi32, #tpu.memory_space<vmem>> -> memref<128xi32, #tpu.memory_space<vmem>>
      %dma_wait3A_412 = arith.constant 0 : i32
      %dma_wait3A_413 = arith.constant 0 : i32
      %dma_wait3A_414 = tpu.memref_slice %arg3[%dma_wait3A_412, %dma_wait3A_413] : memref<1000000x32xf32, #tpu.memory_space<hbm>> -> memref<1000000x32xf32, #tpu.memory_space<hbm>>
      %dma_wait3A_415 = tpu.memref_slice %arg8[%dma_wait3A_401] : memref<2x!tpu.dma_semaphore, #tpu.memory_space<semaphore_mem>> -> memref<1x!tpu.dma_semaphore, #tpu.memory_space<semaphore_mem>>
      %dma_wait3A_416 = tpu.memref_squeeze %dma_wait3A_415 : memref<1x!tpu.dma_semaphore, #tpu.memory_space<semaphore_mem>> -> memref<!tpu.dma_semaphore, #tpu.memory_space<semaphore_mem>>
      tpu.wait_indirect_dma semaphore(%dma_wait3A_416 : memref<!tpu.dma_semaphore, #tpu.memory_space<semaphore_mem>>) src(%dma_wait3A_414 : memref<1000000x32xf32, #tpu.memory_space<hbm>>) dst(%dma_wait3A_408 : memref<128x32xf32, #tpu.memory_space<vmem>>)
      %dma_wait3A_417 = arith.constant 0 : i32
      %dma_wait3A_418 = arith.constant 7 : i32
      %dma_wait3A_419 = arith.constant 0 : i32
      %dma_wait3A_420 = arith.constant 0 : i32
      %dma_wait3A_421 = arith.constant 0 : i32
      %dma_wait3A_422 = arith.constant 0 : i32
      %dma_wait3A_423 = tpu.memref_slice %arg6[%dma_wait3A_419, %dma_wait3A_421, %dma_wait3A_422] : memref<2x1280x32xf32, #tpu.memory_space<vmem>> -> memref<1x1280x32xf32, #tpu.memory_space<vmem>>
      %dma_wait3A_424 = tpu.memref_squeeze %dma_wait3A_423 : memref<1x1280x32xf32, #tpu.memory_space<vmem>> -> memref<1280x32xf32, #tpu.memory_space<vmem>>
      %dma_wait3A_425 = arith.constant 896 : i32
      %dma_wait3A_426 = arith.constant 0 : i32
      %dma_wait3A_427 = tpu.memref_slice %dma_wait3A_424[%dma_wait3A_425, %dma_wait3A_426] : memref<1280x32xf32, #tpu.memory_space<vmem>> -> memref<128x32xf32, #tpu.memory_space<vmem>>
      %dma_wait3A_428 = arith.constant 0 : i32
      %dma_wait3A_429 = tpu.memref_slice %arg5[%dma_wait3A_417, %dma_wait3A_418, %dma_wait3A_428] : memref<2x10x128xi32, #tpu.memory_space<vmem>> -> memref<1x1x128xi32, #tpu.memory_space<vmem>>
      %dma_wait3A_430 = tpu.memref_squeeze %dma_wait3A_429 : memref<1x1x128xi32, #tpu.memory_space<vmem>> -> memref<128xi32, #tpu.memory_space<vmem>>
      %dma_wait3A_431 = arith.constant 0 : i32
      %dma_wait3A_432 = arith.constant 0 : i32
      %dma_wait3A_433 = tpu.memref_slice %arg3[%dma_wait3A_431, %dma_wait3A_432] : memref<1000000x32xf32, #tpu.memory_space<hbm>> -> memref<1000000x32xf32, #tpu.memory_space<hbm>>
      %dma_wait3A_434 = tpu.memref_slice %arg8[%dma_wait3A_420] : memref<2x!tpu.dma_semaphore, #tpu.memory_space<semaphore_mem>> -> memref<1x!tpu.dma_semaphore, #tpu.memory_space<semaphore_mem>>
      %dma_wait3A_435 = tpu.memref_squeeze %dma_wait3A_434 : memref<1x!tpu.dma_semaphore, #tpu.memory_space<semaphore_mem>> -> memref<!tpu.dma_semaphore, #tpu.memory_space<semaphore_mem>>
      tpu.wait_indirect_dma semaphore(%dma_wait3A_435 : memref<!tpu.dma_semaphore, #tpu.memory_space<semaphore_mem>>) src(%dma_wait3A_433 : memref<1000000x32xf32, #tpu.memory_space<hbm>>) dst(%dma_wait3A_427 : memref<128x32xf32, #tpu.memory_space<vmem>>)
      %dma_wait3A_436 = arith.constant 0 : i32
      %dma_wait3A_437 = arith.constant 8 : i32
      %dma_wait3A_438 = arith.constant 0 : i32
      %dma_wait3A_439 = arith.constant 0 : i32
      %dma_wait3A_440 = arith.constant 0 : i32
      %dma_wait3A_441 = arith.constant 0 : i32
      %dma_wait3A_442 = tpu.memref_slice %arg6[%dma_wait3A_438, %dma_wait3A_440, %dma_wait3A_441] : memref<2x1280x32xf32, #tpu.memory_space<vmem>> -> memref<1x1280x32xf32, #tpu.memory_space<vmem>>
      %dma_wait3A_443 = tpu.memref_squeeze %dma_wait3A_442 : memref<1x1280x32xf32, #tpu.memory_space<vmem>> -> memref<1280x32xf32, #tpu.memory_space<vmem>>
      %dma_wait3A_444 = arith.constant 1024 : i32
      %dma_wait3A_445 = arith.constant 0 : i32
      %dma_wait3A_446 = tpu.memref_slice %dma_wait3A_443[%dma_wait3A_444, %dma_wait3A_445] : memref<1280x32xf32, #tpu.memory_space<vmem>> -> memref<128x32xf32, #tpu.memory_space<vmem>>
      %dma_wait3A_447 = arith.constant 0 : i32
      %dma_wait3A_448 = tpu.memref_slice %arg5[%dma_wait3A_436, %dma_wait3A_437, %dma_wait3A_447] : memref<2x10x128xi32, #tpu.memory_space<vmem>> -> memref<1x1x128xi32, #tpu.memory_space<vmem>>
      %dma_wait3A_449 = tpu.memref_squeeze %dma_wait3A_448 : memref<1x1x128xi32, #tpu.memory_space<vmem>> -> memref<128xi32, #tpu.memory_space<vmem>>
      %dma_wait3A_450 = arith.constant 0 : i32
      %dma_wait3A_451 = arith.constant 0 : i32
      %dma_wait3A_452 = tpu.memref_slice %arg3[%dma_wait3A_450, %dma_wait3A_451] : memref<1000000x32xf32, #tpu.memory_space<hbm>> -> memref<1000000x32xf32, #tpu.memory_space<hbm>>
      %dma_wait3A_453 = tpu.memref_slice %arg8[%dma_wait3A_439] : memref<2x!tpu.dma_semaphore, #tpu.memory_space<semaphore_mem>> -> memref<1x!tpu.dma_semaphore, #tpu.memory_space<semaphore_mem>>
      %dma_wait3A_454 = tpu.memref_squeeze %dma_wait3A_453 : memref<1x!tpu.dma_semaphore, #tpu.memory_space<semaphore_mem>> -> memref<!tpu.dma_semaphore, #tpu.memory_space<semaphore_mem>>
      tpu.wait_indirect_dma semaphore(%dma_wait3A_454 : memref<!tpu.dma_semaphore, #tpu.memory_space<semaphore_mem>>) src(%dma_wait3A_452 : memref<1000000x32xf32, #tpu.memory_space<hbm>>) dst(%dma_wait3A_446 : memref<128x32xf32, #tpu.memory_space<vmem>>)
      %dma_wait3A_455 = arith.constant 0 : i32
      %dma_wait3A_456 = arith.constant 9 : i32
      %dma_wait3A_457 = arith.constant 0 : i32
      %dma_wait3A_458 = arith.constant 0 : i32
      %dma_wait3A_459 = arith.constant 0 : i32
      %dma_wait3A_460 = arith.constant 0 : i32
      %dma_wait3A_461 = tpu.memref_slice %arg6[%dma_wait3A_457, %dma_wait3A_459, %dma_wait3A_460] : memref<2x1280x32xf32, #tpu.memory_space<vmem>> -> memref<1x1280x32xf32, #tpu.memory_space<vmem>>
      %dma_wait3A_462 = tpu.memref_squeeze %dma_wait3A_461 : memref<1x1280x32xf32, #tpu.memory_space<vmem>> -> memref<1280x32xf32, #tpu.memory_space<vmem>>
      %dma_wait3A_463 = arith.constant 1152 : i32
      %dma_wait3A_464 = arith.constant 0 : i32
      %dma_wait3A_465 = tpu.memref_slice %dma_wait3A_462[%dma_wait3A_463, %dma_wait3A_464] : memref<1280x32xf32, #tpu.memory_space<vmem>> -> memref<128x32xf32, #tpu.memory_space<vmem>>
      %dma_wait3A_466 = arith.constant 0 : i32
      %dma_wait3A_467 = tpu.memref_slice %arg5[%dma_wait3A_455, %dma_wait3A_456, %dma_wait3A_466] : memref<2x10x128xi32, #tpu.memory_space<vmem>> -> memref<1x1x128xi32, #tpu.memory_space<vmem>>
      %dma_wait3A_468 = tpu.memref_squeeze %dma_wait3A_467 : memref<1x1x128xi32, #tpu.memory_space<vmem>> -> memref<128xi32, #tpu.memory_space<vmem>>
      %dma_wait3A_469 = arith.constant 0 : i32
      %dma_wait3A_470 = arith.constant 0 : i32
      %dma_wait3A_471 = tpu.memref_slice %arg3[%dma_wait3A_469, %dma_wait3A_470] : memref<1000000x32xf32, #tpu.memory_space<hbm>> -> memref<1000000x32xf32, #tpu.memory_space<hbm>>
      %dma_wait3A_472 = tpu.memref_slice %arg8[%dma_wait3A_458] : memref<2x!tpu.dma_semaphore, #tpu.memory_space<semaphore_mem>> -> memref<1x!tpu.dma_semaphore, #tpu.memory_space<semaphore_mem>>
      %dma_wait3A_473 = tpu.memref_squeeze %dma_wait3A_472 : memref<1x!tpu.dma_semaphore, #tpu.memory_space<semaphore_mem>> -> memref<!tpu.dma_semaphore, #tpu.memory_space<semaphore_mem>>
      tpu.wait_indirect_dma semaphore(%dma_wait3A_473 : memref<!tpu.dma_semaphore, #tpu.memory_space<semaphore_mem>>) src(%dma_wait3A_471 : memref<1000000x32xf32, #tpu.memory_space<hbm>>) dst(%dma_wait3A_465 : memref<128x32xf32, #tpu.memory_space<vmem>>)
      %mul3A_474 = arith.constant 1280 : i32
      %mul3A_475 = arith.muli %add3A_66, %mul3A_474 : i32
      %add3A_476 = arith.addi %mul3A_4, %mul3A_475 : i32
      %dma_start3A_477 = arith.constant 0 : i32
      %dma_start3A_478 = arith.constant 0 : i32
      %dma_start3A_479 = arith.constant 0 : i32
      %dma_start3A_480 = arith.constant 0 : i32
      %dma_start3A_481 = tpu.memref_slice %arg6[%dma_start3A_477, %dma_start3A_479, %dma_start3A_480] : memref<2x1280x32xf32, #tpu.memory_space<vmem>> -> memref<1x1280x32xf32, #tpu.memory_space<vmem>>
      %dma_start3A_482 = tpu.memref_squeeze %dma_start3A_481 : memref<1x1280x32xf32, #tpu.memory_space<vmem>> -> memref<1280x32xf32, #tpu.memory_space<vmem>>
      %dma_start3A_483 = arith.constant 0 : i32
      %dma_start3A_484 = tpu.memref_slice %arg4[%add3A_476, %dma_start3A_483] : memref<819200x32xf32, #tpu.memory_space<hbm>> -> memref<1280x32xf32, #tpu.memory_space<hbm>>
      %dma_start3A_485 = tpu.memref_slice %arg9[%dma_start3A_478] : memref<2x!tpu.dma_semaphore, #tpu.memory_space<semaphore_mem>> -> memref<1x!tpu.dma_semaphore, #tpu.memory_space<semaphore_mem>>
      %dma_start3A_486 = tpu.memref_squeeze %dma_start3A_485 : memref<1x!tpu.dma_semaphore, #tpu.memory_space<semaphore_mem>> -> memref<!tpu.dma_semaphore, #tpu.memory_space<semaphore_mem>>
      %dma_start3A_487 = arith.constant 0 : i32
      %dma_start3A_488 = tpu.memref_slice %arg4[%add3A_476, %dma_start3A_487] : memref<819200x32xf32, #tpu.memory_space<hbm>> -> memref<1280x32xf32, #tpu.memory_space<hbm>>
      %dma_start3A_489 = arith.constant 0 : i32
      %dma_start3A_490 = arith.constant 0 : i32
      %dma_start3A_491 = tpu.memref_slice %arg6[%dma_start3A_477, %dma_start3A_489, %dma_start3A_490] : memref<2x1280x32xf32, #tpu.memory_space<vmem>> -> memref<1x1280x32xf32, #tpu.memory_space<vmem>>
      %dma_start3A_492 = tpu.memref_squeeze %dma_start3A_491 : memref<1x1280x32xf32, #tpu.memory_space<vmem>> -> memref<1280x32xf32, #tpu.memory_space<vmem>>
      tpu.enqueue_dma source(%dma_start3A_492 : memref<1280x32xf32, #tpu.memory_space<vmem>>) target(%dma_start3A_488 : memref<1280x32xf32, #tpu.memory_space<hbm>>) target_semaphore(%dma_start3A_486 : memref<!tpu.dma_semaphore, #tpu.memory_space<semaphore_mem>>)
      %mul3A_493 = arith.constant 2 : i32
      %mul3A_494 = arith.muli %scan3A_62, %mul3A_493 : i32
      %add3A_495 = arith.constant 1 : i32
      %add3A_496 = arith.addi %mul3A_494, %add3A_495 : i32
      %mul3A_497 = arith.constant 10 : i32
      %mul3A_498 = arith.muli %add3A_496, %mul3A_497 : i32
      %add3A_499 = arith.addi %mul3A_2, %mul3A_498 : i32
      %dma_wait3A_500 = arith.constant 1 : i32
      %dma_wait3A_501 = arith.constant 1 : i32
      %dma_wait3A_502 = arith.constant 0 : i32
      %dma_wait3A_503 = arith.constant 0 : i32
      %dma_wait3A_504 = tpu.memref_slice %arg5[%dma_wait3A_500, %dma_wait3A_502, %dma_wait3A_503] : memref<2x10x128xi32, #tpu.memory_space<vmem>> -> memref<1x10x128xi32, #tpu.memory_space<vmem>>
      %dma_wait3A_505 = tpu.memref_squeeze %dma_wait3A_504 : memref<1x10x128xi32, #tpu.memory_space<vmem>> -> memref<10x128xi32, #tpu.memory_space<vmem>>
      %dma_wait3A_506 = arith.constant 0 : i32
      %dma_wait3A_507 = tpu.memref_slice %arg2[%add3A_499, %dma_wait3A_506] : memref<6400x128xi32, #tpu.memory_space<hbm>> -> memref<10x128xi32, #tpu.memory_space<hbm>>
      %dma_wait3A_508 = tpu.memref_slice %arg7[%dma_wait3A_501] : memref<2x!tpu.dma_semaphore, #tpu.memory_space<semaphore_mem>> -> memref<1x!tpu.dma_semaphore, #tpu.memory_space<semaphore_mem>>
      %dma_wait3A_509 = tpu.memref_squeeze %dma_wait3A_508 : memref<1x!tpu.dma_semaphore, #tpu.memory_space<semaphore_mem>> -> memref<!tpu.dma_semaphore, #tpu.memory_space<semaphore_mem>>
      %dma_wait3A_510 = arith.constant 0 : i32
      %dma_wait3A_511 = arith.constant 0 : i32
      %dma_wait3A_512 = tpu.memref_slice %arg5[%dma_wait3A_500, %dma_wait3A_510, %dma_wait3A_511] : memref<2x10x128xi32, #tpu.memory_space<vmem>> -> memref<1x10x128xi32, #tpu.memory_space<vmem>>
      %dma_wait3A_513 = tpu.memref_squeeze %dma_wait3A_512 : memref<1x10x128xi32, #tpu.memory_space<vmem>> -> memref<10x128xi32, #tpu.memory_space<vmem>>
      %dma_wait3A_514 = arith.constant 0 : i32
      %dma_wait3A_515 = tpu.memref_slice %arg2[%add3A_499, %dma_wait3A_514] : memref<6400x128xi32, #tpu.memory_space<hbm>> -> memref<10x128xi32, #tpu.memory_space<hbm>>
      tpu.wait_dma2 semaphore(%dma_wait3A_509 : memref<!tpu.dma_semaphore, #tpu.memory_space<semaphore_mem>>) src(%dma_wait3A_515 : memref<10x128xi32, #tpu.memory_space<hbm>>) dst(%dma_wait3A_513 : memref<10x128xi32, #tpu.memory_space<vmem>>)
      %add3A_516 = arith.constant 1 : i32
      %add3A_517 = arith.addi %add3A_496, %add3A_516 : i32
      %lt3A_518 = arith.constant 20 : i32
      %lt3A_519 = arith.cmpi slt, %add3A_517, %lt3A_518 : i32
      %convert_element_type3A_520 = arith.extui %lt3A_519 : i1 to i32
      %cond3A_521 = arith.constant 0 : i32
      %cond3A_522 = arith.cmpi ne, %convert_element_type3A_520, %cond3A_521 : i32
      scf.if %cond3A_522 {
        %add3A_927 = arith.constant 1 : i32
        %add3A_928 = arith.addi %add3A_496, %add3A_927 : i32
        %mul3A_929 = arith.constant 10 : i32
        %mul3A_930 = arith.muli %add3A_928, %mul3A_929 : i32
        %add3A_931 = arith.addi %mul3A_2, %mul3A_930 : i32
        %dma_start3A_932 = arith.constant 0 : i32
        %dma_start3A_933 = arith.constant 0 : i32
        %dma_start3A_934 = arith.constant 0 : i32
        %dma_start3A_935 = arith.constant 0 : i32
        %dma_start3A_936 = tpu.memref_slice %arg5[%dma_start3A_932, %dma_start3A_934, %dma_start3A_935] : memref<2x10x128xi32, #tpu.memory_space<vmem>> -> memref<1x10x128xi32, #tpu.memory_space<vmem>>
        %dma_start3A_937 = tpu.memref_squeeze %dma_start3A_936 : memref<1x10x128xi32, #tpu.memory_space<vmem>> -> memref<10x128xi32, #tpu.memory_space<vmem>>
        %dma_start3A_938 = arith.constant 0 : i32
        %dma_start3A_939 = tpu.memref_slice %arg2[%add3A_931, %dma_start3A_938] : memref<6400x128xi32, #tpu.memory_space<hbm>> -> memref<10x128xi32, #tpu.memory_space<hbm>>
        %dma_start3A_940 = tpu.memref_slice %arg7[%dma_start3A_933] : memref<2x!tpu.dma_semaphore, #tpu.memory_space<semaphore_mem>> -> memref<1x!tpu.dma_semaphore, #tpu.memory_space<semaphore_mem>>
        %dma_start3A_941 = tpu.memref_squeeze %dma_start3A_940 : memref<1x!tpu.dma_semaphore, #tpu.memory_space<semaphore_mem>> -> memref<!tpu.dma_semaphore, #tpu.memory_space<semaphore_mem>>
        %dma_start3A_942 = arith.constant 0 : i32
        %dma_start3A_943 = arith.constant 0 : i32
        %dma_start3A_944 = tpu.memref_slice %arg5[%dma_start3A_932, %dma_start3A_942, %dma_start3A_943] : memref<2x10x128xi32, #tpu.memory_space<vmem>> -> memref<1x10x128xi32, #tpu.memory_space<vmem>>
        %dma_start3A_945 = tpu.memref_squeeze %dma_start3A_944 : memref<1x10x128xi32, #tpu.memory_space<vmem>> -> memref<10x128xi32, #tpu.memory_space<vmem>>
        %dma_start3A_946 = arith.constant 0 : i32
        %dma_start3A_947 = tpu.memref_slice %arg2[%add3A_931, %dma_start3A_946] : memref<6400x128xi32, #tpu.memory_space<hbm>> -> memref<10x128xi32, #tpu.memory_space<hbm>>
        tpu.enqueue_dma source(%dma_start3A_947 : memref<10x128xi32, #tpu.memory_space<hbm>>) target(%dma_start3A_945 : memref<10x128xi32, #tpu.memory_space<vmem>>) target_semaphore(%dma_start3A_941 : memref<!tpu.dma_semaphore, #tpu.memory_space<semaphore_mem>>)
      } else {
      }
      %ge3A_523 = arith.constant 2 : i32
      %ge3A_524 = arith.cmpi sge, %add3A_496, %ge3A_523 : i32
      %convert_element_type3A_525 = arith.extui %ge3A_524 : i1 to i32
      %cond3A_526 = arith.constant 0 : i32
      %cond3A_527 = arith.cmpi ne, %convert_element_type3A_525, %cond3A_526 : i32
      scf.if %cond3A_527 {
        %sub3A = arith.constant 2 : i32
        %sub3A_927 = arith.subi %add3A_496, %sub3A : i32
        %mul3A_928 = arith.constant 1280 : i32
        %mul3A_929 = arith.muli %sub3A_927, %mul3A_928 : i32
        %add3A_930 = arith.addi %mul3A_4, %mul3A_929 : i32
        %dma_wait3A_931 = arith.constant 1 : i32
        %dma_wait3A_932 = arith.constant 1 : i32
        %dma_wait3A_933 = arith.constant 0 : i32
        %dma_wait3A_934 = arith.constant 0 : i32
        %dma_wait3A_935 = tpu.memref_slice %arg6[%dma_wait3A_931, %dma_wait3A_933, %dma_wait3A_934] : memref<2x1280x32xf32, #tpu.memory_space<vmem>> -> memref<1x1280x32xf32, #tpu.memory_space<vmem>>
        %dma_wait3A_936 = tpu.memref_squeeze %dma_wait3A_935 : memref<1x1280x32xf32, #tpu.memory_space<vmem>> -> memref<1280x32xf32, #tpu.memory_space<vmem>>
        %dma_wait3A_937 = arith.constant 0 : i32
        %dma_wait3A_938 = tpu.memref_slice %arg4[%add3A_930, %dma_wait3A_937] : memref<819200x32xf32, #tpu.memory_space<hbm>> -> memref<1280x32xf32, #tpu.memory_space<hbm>>
        %dma_wait3A_939 = tpu.memref_slice %arg9[%dma_wait3A_932] : memref<2x!tpu.dma_semaphore, #tpu.memory_space<semaphore_mem>> -> memref<1x!tpu.dma_semaphore, #tpu.memory_space<semaphore_mem>>
        %dma_wait3A_940 = tpu.memref_squeeze %dma_wait3A_939 : memref<1x!tpu.dma_semaphore, #tpu.memory_space<semaphore_mem>> -> memref<!tpu.dma_semaphore, #tpu.memory_space<semaphore_mem>>
        %dma_wait3A_941 = arith.constant 0 : i32
        %dma_wait3A_942 = tpu.memref_slice %arg4[%add3A_930, %dma_wait3A_941] : memref<819200x32xf32, #tpu.memory_space<hbm>> -> memref<1280x32xf32, #tpu.memory_space<hbm>>
        %dma_wait3A_943 = arith.constant 0 : i32
        %dma_wait3A_944 = arith.constant 0 : i32
        %dma_wait3A_945 = tpu.memref_slice %arg6[%dma_wait3A_931, %dma_wait3A_943, %dma_wait3A_944] : memref<2x1280x32xf32, #tpu.memory_space<vmem>> -> memref<1x1280x32xf32, #tpu.memory_space<vmem>>
        %dma_wait3A_946 = tpu.memref_squeeze %dma_wait3A_945 : memref<1x1280x32xf32, #tpu.memory_space<vmem>> -> memref<1280x32xf32, #tpu.memory_space<vmem>>
        tpu.wait_dma2 semaphore(%dma_wait3A_940 : memref<!tpu.dma_semaphore, #tpu.memory_space<semaphore_mem>>) src(%dma_wait3A_946 : memref<1280x32xf32, #tpu.memory_space<vmem>>) dst(%dma_wait3A_942 : memref<1280x32xf32, #tpu.memory_space<hbm>>)
      } else {
      }
      %dma_start3A_528 = arith.constant 1 : i32
      %dma_start3A_529 = arith.constant 0 : i32
      %dma_start3A_530 = arith.constant 1 : i32
      %dma_start3A_531 = arith.constant 1 : i32
      %dma_start3A_532 = arith.constant 0 : i32
      %dma_start3A_533 = arith.constant 0 : i32
      %dma_start3A_534 = tpu.memref_slice %arg6[%dma_start3A_530, %dma_start3A_532, %dma_start3A_533] : memref<2x1280x32xf32, #tpu.memory_space<vmem>> -> memref<1x1280x32xf32, #tpu.memory_space<vmem>>
      %dma_start3A_535 = tpu.memref_squeeze %dma_start3A_534 : memref<1x1280x32xf32, #tpu.memory_space<vmem>> -> memref<1280x32xf32, #tpu.memory_space<vmem>>
      %dma_start3A_536 = arith.constant 0 : i32
      %dma_start3A_537 = arith.constant 0 : i32
      %dma_start3A_538 = tpu.memref_slice %dma_start3A_535[%dma_start3A_536, %dma_start3A_537] : memref<1280x32xf32, #tpu.memory_space<vmem>> -> memref<128x32xf32, #tpu.memory_space<vmem>>
      %dma_start3A_539 = arith.constant 0 : i32
      %dma_start3A_540 = tpu.memref_slice %arg5[%dma_start3A_528, %dma_start3A_529, %dma_start3A_539] : memref<2x10x128xi32, #tpu.memory_space<vmem>> -> memref<1x1x128xi32, #tpu.memory_space<vmem>>
      %dma_start3A_541 = tpu.memref_squeeze %dma_start3A_540 : memref<1x1x128xi32, #tpu.memory_space<vmem>> -> memref<128xi32, #tpu.memory_space<vmem>>
      %dma_start3A_542 = arith.constant 0 : i32
      %dma_start3A_543 = arith.constant 0 : i32
      %dma_start3A_544 = tpu.memref_slice %arg3[%dma_start3A_542, %dma_start3A_543] : memref<1000000x32xf32, #tpu.memory_space<hbm>> -> memref<1000000x32xf32, #tpu.memory_space<hbm>>
      %dma_start3A_545 = tpu.memref_slice %arg8[%dma_start3A_531] : memref<2x!tpu.dma_semaphore, #tpu.memory_space<semaphore_mem>> -> memref<1x!tpu.dma_semaphore, #tpu.memory_space<semaphore_mem>>
      %dma_start3A_546 = tpu.memref_squeeze %dma_start3A_545 : memref<1x!tpu.dma_semaphore, #tpu.memory_space<semaphore_mem>> -> memref<!tpu.dma_semaphore, #tpu.memory_space<semaphore_mem>>
      tpu.enqueue_indirect_dma source(%dma_start3A_544 : memref<1000000x32xf32, #tpu.memory_space<hbm>>) target(%dma_start3A_538 : memref<128x32xf32, #tpu.memory_space<vmem>>) offsets(%dma_start3A_541 : memref<128xi32, #tpu.memory_space<vmem>>) semaphore(%dma_start3A_546 : memref<!tpu.dma_semaphore, #tpu.memory_space<semaphore_mem>>)
      %dma_start3A_547 = arith.constant 1 : i32
      %dma_start3A_548 = arith.constant 1 : i32
      %dma_start3A_549 = arith.constant 1 : i32
      %dma_start3A_550 = arith.constant 1 : i32
      %dma_start3A_551 = arith.constant 0 : i32
      %dma_start3A_552 = arith.constant 0 : i32
      %dma_start3A_553 = tpu.memref_slice %arg6[%dma_start3A_549, %dma_start3A_551, %dma_start3A_552] : memref<2x1280x32xf32, #tpu.memory_space<vmem>> -> memref<1x1280x32xf32, #tpu.memory_space<vmem>>
      %dma_start3A_554 = tpu.memref_squeeze %dma_start3A_553 : memref<1x1280x32xf32, #tpu.memory_space<vmem>> -> memref<1280x32xf32, #tpu.memory_space<vmem>>
      %dma_start3A_555 = arith.constant 128 : i32
      %dma_start3A_556 = arith.constant 0 : i32
      %dma_start3A_557 = tpu.memref_slice %dma_start3A_554[%dma_start3A_555, %dma_start3A_556] : memref<1280x32xf32, #tpu.memory_space<vmem>> -> memref<128x32xf32, #tpu.memory_space<vmem>>
      %dma_start3A_558 = arith.constant 0 : i32
      %dma_start3A_559 = tpu.memref_slice %arg5[%dma_start3A_547, %dma_start3A_548, %dma_start3A_558] : memref<2x10x128xi32, #tpu.memory_space<vmem>> -> memref<1x1x128xi32, #tpu.memory_space<vmem>>
      %dma_start3A_560 = tpu.memref_squeeze %dma_start3A_559 : memref<1x1x128xi32, #tpu.memory_space<vmem>> -> memref<128xi32, #tpu.memory_space<vmem>>
      %dma_start3A_561 = arith.constant 0 : i32
      %dma_start3A_562 = arith.constant 0 : i32
      %dma_start3A_563 = tpu.memref_slice %arg3[%dma_start3A_561, %dma_start3A_562] : memref<1000000x32xf32, #tpu.memory_space<hbm>> -> memref<1000000x32xf32, #tpu.memory_space<hbm>>
      %dma_start3A_564 = tpu.memref_slice %arg8[%dma_start3A_550] : memref<2x!tpu.dma_semaphore, #tpu.memory_space<semaphore_mem>> -> memref<1x!tpu.dma_semaphore, #tpu.memory_space<semaphore_mem>>
      %dma_start3A_565 = tpu.memref_squeeze %dma_start3A_564 : memref<1x!tpu.dma_semaphore, #tpu.memory_space<semaphore_mem>> -> memref<!tpu.dma_semaphore, #tpu.memory_space<semaphore_mem>>
      tpu.enqueue_indirect_dma source(%dma_start3A_563 : memref<1000000x32xf32, #tpu.memory_space<hbm>>) target(%dma_start3A_557 : memref<128x32xf32, #tpu.memory_space<vmem>>) offsets(%dma_start3A_560 : memref<128xi32, #tpu.memory_space<vmem>>) semaphore(%dma_start3A_565 : memref<!tpu.dma_semaphore, #tpu.memory_space<semaphore_mem>>)
      %dma_start3A_566 = arith.constant 1 : i32
      %dma_start3A_567 = arith.constant 2 : i32
      %dma_start3A_568 = arith.constant 1 : i32
      %dma_start3A_569 = arith.constant 1 : i32
      %dma_start3A_570 = arith.constant 0 : i32
      %dma_start3A_571 = arith.constant 0 : i32
      %dma_start3A_572 = tpu.memref_slice %arg6[%dma_start3A_568, %dma_start3A_570, %dma_start3A_571] : memref<2x1280x32xf32, #tpu.memory_space<vmem>> -> memref<1x1280x32xf32, #tpu.memory_space<vmem>>
      %dma_start3A_573 = tpu.memref_squeeze %dma_start3A_572 : memref<1x1280x32xf32, #tpu.memory_space<vmem>> -> memref<1280x32xf32, #tpu.memory_space<vmem>>
      %dma_start3A_574 = arith.constant 256 : i32
      %dma_start3A_575 = arith.constant 0 : i32
      %dma_start3A_576 = tpu.memref_slice %dma_start3A_573[%dma_start3A_574, %dma_start3A_575] : memref<1280x32xf32, #tpu.memory_space<vmem>> -> memref<128x32xf32, #tpu.memory_space<vmem>>
      %dma_start3A_577 = arith.constant 0 : i32
      %dma_start3A_578 = tpu.memref_slice %arg5[%dma_start3A_566, %dma_start3A_567, %dma_start3A_577] : memref<2x10x128xi32, #tpu.memory_space<vmem>> -> memref<1x1x128xi32, #tpu.memory_space<vmem>>
      %dma_start3A_579 = tpu.memref_squeeze %dma_start3A_578 : memref<1x1x128xi32, #tpu.memory_space<vmem>> -> memref<128xi32, #tpu.memory_space<vmem>>
      %dma_start3A_580 = arith.constant 0 : i32
      %dma_start3A_581 = arith.constant 0 : i32
      %dma_start3A_582 = tpu.memref_slice %arg3[%dma_start3A_580, %dma_start3A_581] : memref<1000000x32xf32, #tpu.memory_space<hbm>> -> memref<1000000x32xf32, #tpu.memory_space<hbm>>
      %dma_start3A_583 = tpu.memref_slice %arg8[%dma_start3A_569] : memref<2x!tpu.dma_semaphore, #tpu.memory_space<semaphore_mem>> -> memref<1x!tpu.dma_semaphore, #tpu.memory_space<semaphore_mem>>
      %dma_start3A_584 = tpu.memref_squeeze %dma_start3A_583 : memref<1x!tpu.dma_semaphore, #tpu.memory_space<semaphore_mem>> -> memref<!tpu.dma_semaphore, #tpu.memory_space<semaphore_mem>>
      tpu.enqueue_indirect_dma source(%dma_start3A_582 : memref<1000000x32xf32, #tpu.memory_space<hbm>>) target(%dma_start3A_576 : memref<128x32xf32, #tpu.memory_space<vmem>>) offsets(%dma_start3A_579 : memref<128xi32, #tpu.memory_space<vmem>>) semaphore(%dma_start3A_584 : memref<!tpu.dma_semaphore, #tpu.memory_space<semaphore_mem>>)
      %dma_start3A_585 = arith.constant 1 : i32
      %dma_start3A_586 = arith.constant 3 : i32
      %dma_start3A_587 = arith.constant 1 : i32
      %dma_start3A_588 = arith.constant 1 : i32
      %dma_start3A_589 = arith.constant 0 : i32
      %dma_start3A_590 = arith.constant 0 : i32
      %dma_start3A_591 = tpu.memref_slice %arg6[%dma_start3A_587, %dma_start3A_589, %dma_start3A_590] : memref<2x1280x32xf32, #tpu.memory_space<vmem>> -> memref<1x1280x32xf32, #tpu.memory_space<vmem>>
      %dma_start3A_592 = tpu.memref_squeeze %dma_start3A_591 : memref<1x1280x32xf32, #tpu.memory_space<vmem>> -> memref<1280x32xf32, #tpu.memory_space<vmem>>
      %dma_start3A_593 = arith.constant 384 : i32
      %dma_start3A_594 = arith.constant 0 : i32
      %dma_start3A_595 = tpu.memref_slice %dma_start3A_592[%dma_start3A_593, %dma_start3A_594] : memref<1280x32xf32, #tpu.memory_space<vmem>> -> memref<128x32xf32, #tpu.memory_space<vmem>>
      %dma_start3A_596 = arith.constant 0 : i32
      %dma_start3A_597 = tpu.memref_slice %arg5[%dma_start3A_585, %dma_start3A_586, %dma_start3A_596] : memref<2x10x128xi32, #tpu.memory_space<vmem>> -> memref<1x1x128xi32, #tpu.memory_space<vmem>>
      %dma_start3A_598 = tpu.memref_squeeze %dma_start3A_597 : memref<1x1x128xi32, #tpu.memory_space<vmem>> -> memref<128xi32, #tpu.memory_space<vmem>>
      %dma_start3A_599 = arith.constant 0 : i32
      %dma_start3A_600 = arith.constant 0 : i32
      %dma_start3A_601 = tpu.memref_slice %arg3[%dma_start3A_599, %dma_start3A_600] : memref<1000000x32xf32, #tpu.memory_space<hbm>> -> memref<1000000x32xf32, #tpu.memory_space<hbm>>
      %dma_start3A_602 = tpu.memref_slice %arg8[%dma_start3A_588] : memref<2x!tpu.dma_semaphore, #tpu.memory_space<semaphore_mem>> -> memref<1x!tpu.dma_semaphore, #tpu.memory_space<semaphore_mem>>
      %dma_start3A_603 = tpu.memref_squeeze %dma_start3A_602 : memref<1x!tpu.dma_semaphore, #tpu.memory_space<semaphore_mem>> -> memref<!tpu.dma_semaphore, #tpu.memory_space<semaphore_mem>>
      tpu.enqueue_indirect_dma source(%dma_start3A_601 : memref<1000000x32xf32, #tpu.memory_space<hbm>>) target(%dma_start3A_595 : memref<128x32xf32, #tpu.memory_space<vmem>>) offsets(%dma_start3A_598 : memref<128xi32, #tpu.memory_space<vmem>>) semaphore(%dma_start3A_603 : memref<!tpu.dma_semaphore, #tpu.memory_space<semaphore_mem>>)
      %dma_start3A_604 = arith.constant 1 : i32
      %dma_start3A_605 = arith.constant 4 : i32
      %dma_start3A_606 = arith.constant 1 : i32
      %dma_start3A_607 = arith.constant 1 : i32
      %dma_start3A_608 = arith.constant 0 : i32
      %dma_start3A_609 = arith.constant 0 : i32
      %dma_start3A_610 = tpu.memref_slice %arg6[%dma_start3A_606, %dma_start3A_608, %dma_start3A_609] : memref<2x1280x32xf32, #tpu.memory_space<vmem>> -> memref<1x1280x32xf32, #tpu.memory_space<vmem>>
      %dma_start3A_611 = tpu.memref_squeeze %dma_start3A_610 : memref<1x1280x32xf32, #tpu.memory_space<vmem>> -> memref<1280x32xf32, #tpu.memory_space<vmem>>
      %dma_start3A_612 = arith.constant 512 : i32
      %dma_start3A_613 = arith.constant 0 : i32
      %dma_start3A_614 = tpu.memref_slice %dma_start3A_611[%dma_start3A_612, %dma_start3A_613] : memref<1280x32xf32, #tpu.memory_space<vmem>> -> memref<128x32xf32, #tpu.memory_space<vmem>>
      %dma_start3A_615 = arith.constant 0 : i32
      %dma_start3A_616 = tpu.memref_slice %arg5[%dma_start3A_604, %dma_start3A_605, %dma_start3A_615] : memref<2x10x128xi32, #tpu.memory_space<vmem>> -> memref<1x1x128xi32, #tpu.memory_space<vmem>>
      %dma_start3A_617 = tpu.memref_squeeze %dma_start3A_616 : memref<1x1x128xi32, #tpu.memory_space<vmem>> -> memref<128xi32, #tpu.memory_space<vmem>>
      %dma_start3A_618 = arith.constant 0 : i32
      %dma_start3A_619 = arith.constant 0 : i32
      %dma_start3A_620 = tpu.memref_slice %arg3[%dma_start3A_618, %dma_start3A_619] : memref<1000000x32xf32, #tpu.memory_space<hbm>> -> memref<1000000x32xf32, #tpu.memory_space<hbm>>
      %dma_start3A_621 = tpu.memref_slice %arg8[%dma_start3A_607] : memref<2x!tpu.dma_semaphore, #tpu.memory_space<semaphore_mem>> -> memref<1x!tpu.dma_semaphore, #tpu.memory_space<semaphore_mem>>
      %dma_start3A_622 = tpu.memref_squeeze %dma_start3A_621 : memref<1x!tpu.dma_semaphore, #tpu.memory_space<semaphore_mem>> -> memref<!tpu.dma_semaphore, #tpu.memory_space<semaphore_mem>>
      tpu.enqueue_indirect_dma source(%dma_start3A_620 : memref<1000000x32xf32, #tpu.memory_space<hbm>>) target(%dma_start3A_614 : memref<128x32xf32, #tpu.memory_space<vmem>>) offsets(%dma_start3A_617 : memref<128xi32, #tpu.memory_space<vmem>>) semaphore(%dma_start3A_622 : memref<!tpu.dma_semaphore, #tpu.memory_space<semaphore_mem>>)
      %dma_start3A_623 = arith.constant 1 : i32
      %dma_start3A_624 = arith.constant 5 : i32
      %dma_start3A_625 = arith.constant 1 : i32
      %dma_start3A_626 = arith.constant 1 : i32
      %dma_start3A_627 = arith.constant 0 : i32
      %dma_start3A_628 = arith.constant 0 : i32
      %dma_start3A_629 = tpu.memref_slice %arg6[%dma_start3A_625, %dma_start3A_627, %dma_start3A_628] : memref<2x1280x32xf32, #tpu.memory_space<vmem>> -> memref<1x1280x32xf32, #tpu.memory_space<vmem>>
      %dma_start3A_630 = tpu.memref_squeeze %dma_start3A_629 : memref<1x1280x32xf32, #tpu.memory_space<vmem>> -> memref<1280x32xf32, #tpu.memory_space<vmem>>
      %dma_start3A_631 = arith.constant 640 : i32
      %dma_start3A_632 = arith.constant 0 : i32
      %dma_start3A_633 = tpu.memref_slice %dma_start3A_630[%dma_start3A_631, %dma_start3A_632] : memref<1280x32xf32, #tpu.memory_space<vmem>> -> memref<128x32xf32, #tpu.memory_space<vmem>>
      %dma_start3A_634 = arith.constant 0 : i32
      %dma_start3A_635 = tpu.memref_slice %arg5[%dma_start3A_623, %dma_start3A_624, %dma_start3A_634] : memref<2x10x128xi32, #tpu.memory_space<vmem>> -> memref<1x1x128xi32, #tpu.memory_space<vmem>>
      %dma_start3A_636 = tpu.memref_squeeze %dma_start3A_635 : memref<1x1x128xi32, #tpu.memory_space<vmem>> -> memref<128xi32, #tpu.memory_space<vmem>>
      %dma_start3A_637 = arith.constant 0 : i32
      %dma_start3A_638 = arith.constant 0 : i32
      %dma_start3A_639 = tpu.memref_slice %arg3[%dma_start3A_637, %dma_start3A_638] : memref<1000000x32xf32, #tpu.memory_space<hbm>> -> memref<1000000x32xf32, #tpu.memory_space<hbm>>
      %dma_start3A_640 = tpu.memref_slice %arg8[%dma_start3A_626] : memref<2x!tpu.dma_semaphore, #tpu.memory_space<semaphore_mem>> -> memref<1x!tpu.dma_semaphore, #tpu.memory_space<semaphore_mem>>
      %dma_start3A_641 = tpu.memref_squeeze %dma_start3A_640 : memref<1x!tpu.dma_semaphore, #tpu.memory_space<semaphore_mem>> -> memref<!tpu.dma_semaphore, #tpu.memory_space<semaphore_mem>>
      tpu.enqueue_indirect_dma source(%dma_start3A_639 : memref<1000000x32xf32, #tpu.memory_space<hbm>>) target(%dma_start3A_633 : memref<128x32xf32, #tpu.memory_space<vmem>>) offsets(%dma_start3A_636 : memref<128xi32, #tpu.memory_space<vmem>>) semaphore(%dma_start3A_641 : memref<!tpu.dma_semaphore, #tpu.memory_space<semaphore_mem>>)
      %dma_start3A_642 = arith.constant 1 : i32
      %dma_start3A_643 = arith.constant 6 : i32
      %dma_start3A_644 = arith.constant 1 : i32
      %dma_start3A_645 = arith.constant 1 : i32
      %dma_start3A_646 = arith.constant 0 : i32
      %dma_start3A_647 = arith.constant 0 : i32
      %dma_start3A_648 = tpu.memref_slice %arg6[%dma_start3A_644, %dma_start3A_646, %dma_start3A_647] : memref<2x1280x32xf32, #tpu.memory_space<vmem>> -> memref<1x1280x32xf32, #tpu.memory_space<vmem>>
      %dma_start3A_649 = tpu.memref_squeeze %dma_start3A_648 : memref<1x1280x32xf32, #tpu.memory_space<vmem>> -> memref<1280x32xf32, #tpu.memory_space<vmem>>
      %dma_start3A_650 = arith.constant 768 : i32
      %dma_start3A_651 = arith.constant 0 : i32
      %dma_start3A_652 = tpu.memref_slice %dma_start3A_649[%dma_start3A_650, %dma_start3A_651] : memref<1280x32xf32, #tpu.memory_space<vmem>> -> memref<128x32xf32, #tpu.memory_space<vmem>>
      %dma_start3A_653 = arith.constant 0 : i32
      %dma_start3A_654 = tpu.memref_slice %arg5[%dma_start3A_642, %dma_start3A_643, %dma_start3A_653] : memref<2x10x128xi32, #tpu.memory_space<vmem>> -> memref<1x1x128xi32, #tpu.memory_space<vmem>>
      %dma_start3A_655 = tpu.memref_squeeze %dma_start3A_654 : memref<1x1x128xi32, #tpu.memory_space<vmem>> -> memref<128xi32, #tpu.memory_space<vmem>>
      %dma_start3A_656 = arith.constant 0 : i32
      %dma_start3A_657 = arith.constant 0 : i32
      %dma_start3A_658 = tpu.memref_slice %arg3[%dma_start3A_656, %dma_start3A_657] : memref<1000000x32xf32, #tpu.memory_space<hbm>> -> memref<1000000x32xf32, #tpu.memory_space<hbm>>
      %dma_start3A_659 = tpu.memref_slice %arg8[%dma_start3A_645] : memref<2x!tpu.dma_semaphore, #tpu.memory_space<semaphore_mem>> -> memref<1x!tpu.dma_semaphore, #tpu.memory_space<semaphore_mem>>
      %dma_start3A_660 = tpu.memref_squeeze %dma_start3A_659 : memref<1x!tpu.dma_semaphore, #tpu.memory_space<semaphore_mem>> -> memref<!tpu.dma_semaphore, #tpu.memory_space<semaphore_mem>>
      tpu.enqueue_indirect_dma source(%dma_start3A_658 : memref<1000000x32xf32, #tpu.memory_space<hbm>>) target(%dma_start3A_652 : memref<128x32xf32, #tpu.memory_space<vmem>>) offsets(%dma_start3A_655 : memref<128xi32, #tpu.memory_space<vmem>>) semaphore(%dma_start3A_660 : memref<!tpu.dma_semaphore, #tpu.memory_space<semaphore_mem>>)
      %dma_start3A_661 = arith.constant 1 : i32
      %dma_start3A_662 = arith.constant 7 : i32
      %dma_start3A_663 = arith.constant 1 : i32
      %dma_start3A_664 = arith.constant 1 : i32
      %dma_start3A_665 = arith.constant 0 : i32
      %dma_start3A_666 = arith.constant 0 : i32
      %dma_start3A_667 = tpu.memref_slice %arg6[%dma_start3A_663, %dma_start3A_665, %dma_start3A_666] : memref<2x1280x32xf32, #tpu.memory_space<vmem>> -> memref<1x1280x32xf32, #tpu.memory_space<vmem>>
      %dma_start3A_668 = tpu.memref_squeeze %dma_start3A_667 : memref<1x1280x32xf32, #tpu.memory_space<vmem>> -> memref<1280x32xf32, #tpu.memory_space<vmem>>
      %dma_start3A_669 = arith.constant 896 : i32
      %dma_start3A_670 = arith.constant 0 : i32
      %dma_start3A_671 = tpu.memref_slice %dma_start3A_668[%dma_start3A_669, %dma_start3A_670] : memref<1280x32xf32, #tpu.memory_space<vmem>> -> memref<128x32xf32, #tpu.memory_space<vmem>>
      %dma_start3A_672 = arith.constant 0 : i32
      %dma_start3A_673 = tpu.memref_slice %arg5[%dma_start3A_661, %dma_start3A_662, %dma_start3A_672] : memref<2x10x128xi32, #tpu.memory_space<vmem>> -> memref<1x1x128xi32, #tpu.memory_space<vmem>>
      %dma_start3A_674 = tpu.memref_squeeze %dma_start3A_673 : memref<1x1x128xi32, #tpu.memory_space<vmem>> -> memref<128xi32, #tpu.memory_space<vmem>>
      %dma_start3A_675 = arith.constant 0 : i32
      %dma_start3A_676 = arith.constant 0 : i32
      %dma_start3A_677 = tpu.memref_slice %arg3[%dma_start3A_675, %dma_start3A_676] : memref<1000000x32xf32, #tpu.memory_space<hbm>> -> memref<1000000x32xf32, #tpu.memory_space<hbm>>
      %dma_start3A_678 = tpu.memref_slice %arg8[%dma_start3A_664] : memref<2x!tpu.dma_semaphore, #tpu.memory_space<semaphore_mem>> -> memref<1x!tpu.dma_semaphore, #tpu.memory_space<semaphore_mem>>
      %dma_start3A_679 = tpu.memref_squeeze %dma_start3A_678 : memref<1x!tpu.dma_semaphore, #tpu.memory_space<semaphore_mem>> -> memref<!tpu.dma_semaphore, #tpu.memory_space<semaphore_mem>>
      tpu.enqueue_indirect_dma source(%dma_start3A_677 : memref<1000000x32xf32, #tpu.memory_space<hbm>>) target(%dma_start3A_671 : memref<128x32xf32, #tpu.memory_space<vmem>>) offsets(%dma_start3A_674 : memref<128xi32, #tpu.memory_space<vmem>>) semaphore(%dma_start3A_679 : memref<!tpu.dma_semaphore, #tpu.memory_space<semaphore_mem>>)
      %dma_start3A_680 = arith.constant 1 : i32
      %dma_start3A_681 = arith.constant 8 : i32
      %dma_start3A_682 = arith.constant 1 : i32
      %dma_start3A_683 = arith.constant 1 : i32
      %dma_start3A_684 = arith.constant 0 : i32
      %dma_start3A_685 = arith.constant 0 : i32
      %dma_start3A_686 = tpu.memref_slice %arg6[%dma_start3A_682, %dma_start3A_684, %dma_start3A_685] : memref<2x1280x32xf32, #tpu.memory_space<vmem>> -> memref<1x1280x32xf32, #tpu.memory_space<vmem>>
      %dma_start3A_687 = tpu.memref_squeeze %dma_start3A_686 : memref<1x1280x32xf32, #tpu.memory_space<vmem>> -> memref<1280x32xf32, #tpu.memory_space<vmem>>
      %dma_start3A_688 = arith.constant 1024 : i32
      %dma_start3A_689 = arith.constant 0 : i32
      %dma_start3A_690 = tpu.memref_slice %dma_start3A_687[%dma_start3A_688, %dma_start3A_689] : memref<1280x32xf32, #tpu.memory_space<vmem>> -> memref<128x32xf32, #tpu.memory_space<vmem>>
      %dma_start3A_691 = arith.constant 0 : i32
      %dma_start3A_692 = tpu.memref_slice %arg5[%dma_start3A_680, %dma_start3A_681, %dma_start3A_691] : memref<2x10x128xi32, #tpu.memory_space<vmem>> -> memref<1x1x128xi32, #tpu.memory_space<vmem>>
      %dma_start3A_693 = tpu.memref_squeeze %dma_start3A_692 : memref<1x1x128xi32, #tpu.memory_space<vmem>> -> memref<128xi32, #tpu.memory_space<vmem>>
      %dma_start3A_694 = arith.constant 0 : i32
      %dma_start3A_695 = arith.constant 0 : i32
      %dma_start3A_696 = tpu.memref_slice %arg3[%dma_start3A_694, %dma_start3A_695] : memref<1000000x32xf32, #tpu.memory_space<hbm>> -> memref<1000000x32xf32, #tpu.memory_space<hbm>>
      %dma_start3A_697 = tpu.memref_slice %arg8[%dma_start3A_683] : memref<2x!tpu.dma_semaphore, #tpu.memory_space<semaphore_mem>> -> memref<1x!tpu.dma_semaphore, #tpu.memory_space<semaphore_mem>>
      %dma_start3A_698 = tpu.memref_squeeze %dma_start3A_697 : memref<1x!tpu.dma_semaphore, #tpu.memory_space<semaphore_mem>> -> memref<!tpu.dma_semaphore, #tpu.memory_space<semaphore_mem>>
      tpu.enqueue_indirect_dma source(%dma_start3A_696 : memref<1000000x32xf32, #tpu.memory_space<hbm>>) target(%dma_start3A_690 : memref<128x32xf32, #tpu.memory_space<vmem>>) offsets(%dma_start3A_693 : memref<128xi32, #tpu.memory_space<vmem>>) semaphore(%dma_start3A_698 : memref<!tpu.dma_semaphore, #tpu.memory_space<semaphore_mem>>)
      %dma_start3A_699 = arith.constant 1 : i32
      %dma_start3A_700 = arith.constant 9 : i32
      %dma_start3A_701 = arith.constant 1 : i32
      %dma_start3A_702 = arith.constant 1 : i32
      %dma_start3A_703 = arith.constant 0 : i32
      %dma_start3A_704 = arith.constant 0 : i32
      %dma_start3A_705 = tpu.memref_slice %arg6[%dma_start3A_701, %dma_start3A_703, %dma_start3A_704] : memref<2x1280x32xf32, #tpu.memory_space<vmem>> -> memref<1x1280x32xf32, #tpu.memory_space<vmem>>
      %dma_start3A_706 = tpu.memref_squeeze %dma_start3A_705 : memref<1x1280x32xf32, #tpu.memory_space<vmem>> -> memref<1280x32xf32, #tpu.memory_space<vmem>>
      %dma_start3A_707 = arith.constant 1152 : i32
      %dma_start3A_708 = arith.constant 0 : i32
      %dma_start3A_709 = tpu.memref_slice %dma_start3A_706[%dma_start3A_707, %dma_start3A_708] : memref<1280x32xf32, #tpu.memory_space<vmem>> -> memref<128x32xf32, #tpu.memory_space<vmem>>
      %dma_start3A_710 = arith.constant 0 : i32
      %dma_start3A_711 = tpu.memref_slice %arg5[%dma_start3A_699, %dma_start3A_700, %dma_start3A_710] : memref<2x10x128xi32, #tpu.memory_space<vmem>> -> memref<1x1x128xi32, #tpu.memory_space<vmem>>
      %dma_start3A_712 = tpu.memref_squeeze %dma_start3A_711 : memref<1x1x128xi32, #tpu.memory_space<vmem>> -> memref<128xi32, #tpu.memory_space<vmem>>
      %dma_start3A_713 = arith.constant 0 : i32
      %dma_start3A_714 = arith.constant 0 : i32
      %dma_start3A_715 = tpu.memref_slice %arg3[%dma_start3A_713, %dma_start3A_714] : memref<1000000x32xf32, #tpu.memory_space<hbm>> -> memref<1000000x32xf32, #tpu.memory_space<hbm>>
      %dma_start3A_716 = tpu.memref_slice %arg8[%dma_start3A_702] : memref<2x!tpu.dma_semaphore, #tpu.memory_space<semaphore_mem>> -> memref<1x!tpu.dma_semaphore, #tpu.memory_space<semaphore_mem>>
      %dma_start3A_717 = tpu.memref_squeeze %dma_start3A_716 : memref<1x!tpu.dma_semaphore, #tpu.memory_space<semaphore_mem>> -> memref<!tpu.dma_semaphore, #tpu.memory_space<semaphore_mem>>
      tpu.enqueue_indirect_dma source(%dma_start3A_715 : memref<1000000x32xf32, #tpu.memory_space<hbm>>) target(%dma_start3A_709 : memref<128x32xf32, #tpu.memory_space<vmem>>) offsets(%dma_start3A_712 : memref<128xi32, #tpu.memory_space<vmem>>) semaphore(%dma_start3A_717 : memref<!tpu.dma_semaphore, #tpu.memory_space<semaphore_mem>>)
      %dma_wait3A_718 = arith.constant 1 : i32
      %dma_wait3A_719 = arith.constant 0 : i32
      %dma_wait3A_720 = arith.constant 1 : i32
      %dma_wait3A_721 = arith.constant 1 : i32
      %dma_wait3A_722 = arith.constant 0 : i32
      %dma_wait3A_723 = arith.constant 0 : i32
      %dma_wait3A_724 = tpu.memref_slice %arg6[%dma_wait3A_720, %dma_wait3A_722, %dma_wait3A_723] : memref<2x1280x32xf32, #tpu.memory_space<vmem>> -> memref<1x1280x32xf32, #tpu.memory_space<vmem>>
      %dma_wait3A_725 = tpu.memref_squeeze %dma_wait3A_724 : memref<1x1280x32xf32, #tpu.memory_space<vmem>> -> memref<1280x32xf32, #tpu.memory_space<vmem>>
      %dma_wait3A_726 = arith.constant 0 : i32
      %dma_wait3A_727 = arith.constant 0 : i32
      %dma_wait3A_728 = tpu.memref_slice %dma_wait3A_725[%dma_wait3A_726, %dma_wait3A_727] : memref<1280x32xf32, #tpu.memory_space<vmem>> -> memref<128x32xf32, #tpu.memory_space<vmem>>
      %dma_wait3A_729 = arith.constant 0 : i32
      %dma_wait3A_730 = tpu.memref_slice %arg5[%dma_wait3A_718, %dma_wait3A_719, %dma_wait3A_729] : memref<2x10x128xi32, #tpu.memory_space<vmem>> -> memref<1x1x128xi32, #tpu.memory_space<vmem>>
      %dma_wait3A_731 = tpu.memref_squeeze %dma_wait3A_730 : memref<1x1x128xi32, #tpu.memory_space<vmem>> -> memref<128xi32, #tpu.memory_space<vmem>>
      %dma_wait3A_732 = arith.constant 0 : i32
      %dma_wait3A_733 = arith.constant 0 : i32
      %dma_wait3A_734 = tpu.memref_slice %arg3[%dma_wait3A_732, %dma_wait3A_733] : memref<1000000x32xf32, #tpu.memory_space<hbm>> -> memref<1000000x32xf32, #tpu.memory_space<hbm>>
      %dma_wait3A_735 = tpu.memref_slice %arg8[%dma_wait3A_721] : memref<2x!tpu.dma_semaphore, #tpu.memory_space<semaphore_mem>> -> memref<1x!tpu.dma_semaphore, #tpu.memory_space<semaphore_mem>>
      %dma_wait3A_736 = tpu.memref_squeeze %dma_wait3A_735 : memref<1x!tpu.dma_semaphore, #tpu.memory_space<semaphore_mem>> -> memref<!tpu.dma_semaphore, #tpu.memory_space<semaphore_mem>>
      tpu.wait_indirect_dma semaphore(%dma_wait3A_736 : memref<!tpu.dma_semaphore, #tpu.memory_space<semaphore_mem>>) src(%dma_wait3A_734 : memref<1000000x32xf32, #tpu.memory_space<hbm>>) dst(%dma_wait3A_728 : memref<128x32xf32, #tpu.memory_space<vmem>>)
      %dma_wait3A_737 = arith.constant 1 : i32
      %dma_wait3A_738 = arith.constant 1 : i32
      %dma_wait3A_739 = arith.constant 1 : i32
      %dma_wait3A_740 = arith.constant 1 : i32
      %dma_wait3A_741 = arith.constant 0 : i32
      %dma_wait3A_742 = arith.constant 0 : i32
      %dma_wait3A_743 = tpu.memref_slice %arg6[%dma_wait3A_739, %dma_wait3A_741, %dma_wait3A_742] : memref<2x1280x32xf32, #tpu.memory_space<vmem>> -> memref<1x1280x32xf32, #tpu.memory_space<vmem>>
      %dma_wait3A_744 = tpu.memref_squeeze %dma_wait3A_743 : memref<1x1280x32xf32, #tpu.memory_space<vmem>> -> memref<1280x32xf32, #tpu.memory_space<vmem>>
      %dma_wait3A_745 = arith.constant 128 : i32
      %dma_wait3A_746 = arith.constant 0 : i32
      %dma_wait3A_747 = tpu.memref_slice %dma_wait3A_744[%dma_wait3A_745, %dma_wait3A_746] : memref<1280x32xf32, #tpu.memory_space<vmem>> -> memref<128x32xf32, #tpu.memory_space<vmem>>
      %dma_wait3A_748 = arith.constant 0 : i32
      %dma_wait3A_749 = tpu.memref_slice %arg5[%dma_wait3A_737, %dma_wait3A_738, %dma_wait3A_748] : memref<2x10x128xi32, #tpu.memory_space<vmem>> -> memref<1x1x128xi32, #tpu.memory_space<vmem>>
      %dma_wait3A_750 = tpu.memref_squeeze %dma_wait3A_749 : memref<1x1x128xi32, #tpu.memory_space<vmem>> -> memref<128xi32, #tpu.memory_space<vmem>>
      %dma_wait3A_751 = arith.constant 0 : i32
      %dma_wait3A_752 = arith.constant 0 : i32
      %dma_wait3A_753 = tpu.memref_slice %arg3[%dma_wait3A_751, %dma_wait3A_752] : memref<1000000x32xf32, #tpu.memory_space<hbm>> -> memref<1000000x32xf32, #tpu.memory_space<hbm>>
      %dma_wait3A_754 = tpu.memref_slice %arg8[%dma_wait3A_740] : memref<2x!tpu.dma_semaphore, #tpu.memory_space<semaphore_mem>> -> memref<1x!tpu.dma_semaphore, #tpu.memory_space<semaphore_mem>>
      %dma_wait3A_755 = tpu.memref_squeeze %dma_wait3A_754 : memref<1x!tpu.dma_semaphore, #tpu.memory_space<semaphore_mem>> -> memref<!tpu.dma_semaphore, #tpu.memory_space<semaphore_mem>>
      tpu.wait_indirect_dma semaphore(%dma_wait3A_755 : memref<!tpu.dma_semaphore, #tpu.memory_space<semaphore_mem>>) src(%dma_wait3A_753 : memref<1000000x32xf32, #tpu.memory_space<hbm>>) dst(%dma_wait3A_747 : memref<128x32xf32, #tpu.memory_space<vmem>>)
      %dma_wait3A_756 = arith.constant 1 : i32
      %dma_wait3A_757 = arith.constant 2 : i32
      %dma_wait3A_758 = arith.constant 1 : i32
      %dma_wait3A_759 = arith.constant 1 : i32
      %dma_wait3A_760 = arith.constant 0 : i32
      %dma_wait3A_761 = arith.constant 0 : i32
      %dma_wait3A_762 = tpu.memref_slice %arg6[%dma_wait3A_758, %dma_wait3A_760, %dma_wait3A_761] : memref<2x1280x32xf32, #tpu.memory_space<vmem>> -> memref<1x1280x32xf32, #tpu.memory_space<vmem>>
      %dma_wait3A_763 = tpu.memref_squeeze %dma_wait3A_762 : memref<1x1280x32xf32, #tpu.memory_space<vmem>> -> memref<1280x32xf32, #tpu.memory_space<vmem>>
      %dma_wait3A_764 = arith.constant 256 : i32
      %dma_wait3A_765 = arith.constant 0 : i32
      %dma_wait3A_766 = tpu.memref_slice %dma_wait3A_763[%dma_wait3A_764, %dma_wait3A_765] : memref<1280x32xf32, #tpu.memory_space<vmem>> -> memref<128x32xf32, #tpu.memory_space<vmem>>
      %dma_wait3A_767 = arith.constant 0 : i32
      %dma_wait3A_768 = tpu.memref_slice %arg5[%dma_wait3A_756, %dma_wait3A_757, %dma_wait3A_767] : memref<2x10x128xi32, #tpu.memory_space<vmem>> -> memref<1x1x128xi32, #tpu.memory_space<vmem>>
      %dma_wait3A_769 = tpu.memref_squeeze %dma_wait3A_768 : memref<1x1x128xi32, #tpu.memory_space<vmem>> -> memref<128xi32, #tpu.memory_space<vmem>>
      %dma_wait3A_770 = arith.constant 0 : i32
      %dma_wait3A_771 = arith.constant 0 : i32
      %dma_wait3A_772 = tpu.memref_slice %arg3[%dma_wait3A_770, %dma_wait3A_771] : memref<1000000x32xf32, #tpu.memory_space<hbm>> -> memref<1000000x32xf32, #tpu.memory_space<hbm>>
      %dma_wait3A_773 = tpu.memref_slice %arg8[%dma_wait3A_759] : memref<2x!tpu.dma_semaphore, #tpu.memory_space<semaphore_mem>> -> memref<1x!tpu.dma_semaphore, #tpu.memory_space<semaphore_mem>>
      %dma_wait3A_774 = tpu.memref_squeeze %dma_wait3A_773 : memref<1x!tpu.dma_semaphore, #tpu.memory_space<semaphore_mem>> -> memref<!tpu.dma_semaphore, #tpu.memory_space<semaphore_mem>>
      tpu.wait_indirect_dma semaphore(%dma_wait3A_774 : memref<!tpu.dma_semaphore, #tpu.memory_space<semaphore_mem>>) src(%dma_wait3A_772 : memref<1000000x32xf32, #tpu.memory_space<hbm>>) dst(%dma_wait3A_766 : memref<128x32xf32, #tpu.memory_space<vmem>>)
      %dma_wait3A_775 = arith.constant 1 : i32
      %dma_wait3A_776 = arith.constant 3 : i32
      %dma_wait3A_777 = arith.constant 1 : i32
      %dma_wait3A_778 = arith.constant 1 : i32
      %dma_wait3A_779 = arith.constant 0 : i32
      %dma_wait3A_780 = arith.constant 0 : i32
      %dma_wait3A_781 = tpu.memref_slice %arg6[%dma_wait3A_777, %dma_wait3A_779, %dma_wait3A_780] : memref<2x1280x32xf32, #tpu.memory_space<vmem>> -> memref<1x1280x32xf32, #tpu.memory_space<vmem>>
      %dma_wait3A_782 = tpu.memref_squeeze %dma_wait3A_781 : memref<1x1280x32xf32, #tpu.memory_space<vmem>> -> memref<1280x32xf32, #tpu.memory_space<vmem>>
      %dma_wait3A_783 = arith.constant 384 : i32
      %dma_wait3A_784 = arith.constant 0 : i32
      %dma_wait3A_785 = tpu.memref_slice %dma_wait3A_782[%dma_wait3A_783, %dma_wait3A_784] : memref<1280x32xf32, #tpu.memory_space<vmem>> -> memref<128x32xf32, #tpu.memory_space<vmem>>
      %dma_wait3A_786 = arith.constant 0 : i32
      %dma_wait3A_787 = tpu.memref_slice %arg5[%dma_wait3A_775, %dma_wait3A_776, %dma_wait3A_786] : memref<2x10x128xi32, #tpu.memory_space<vmem>> -> memref<1x1x128xi32, #tpu.memory_space<vmem>>
      %dma_wait3A_788 = tpu.memref_squeeze %dma_wait3A_787 : memref<1x1x128xi32, #tpu.memory_space<vmem>> -> memref<128xi32, #tpu.memory_space<vmem>>
      %dma_wait3A_789 = arith.constant 0 : i32
      %dma_wait3A_790 = arith.constant 0 : i32
      %dma_wait3A_791 = tpu.memref_slice %arg3[%dma_wait3A_789, %dma_wait3A_790] : memref<1000000x32xf32, #tpu.memory_space<hbm>> -> memref<1000000x32xf32, #tpu.memory_space<hbm>>
      %dma_wait3A_792 = tpu.memref_slice %arg8[%dma_wait3A_778] : memref<2x!tpu.dma_semaphore, #tpu.memory_space<semaphore_mem>> -> memref<1x!tpu.dma_semaphore, #tpu.memory_space<semaphore_mem>>
      %dma_wait3A_793 = tpu.memref_squeeze %dma_wait3A_792 : memref<1x!tpu.dma_semaphore, #tpu.memory_space<semaphore_mem>> -> memref<!tpu.dma_semaphore, #tpu.memory_space<semaphore_mem>>
      tpu.wait_indirect_dma semaphore(%dma_wait3A_793 : memref<!tpu.dma_semaphore, #tpu.memory_space<semaphore_mem>>) src(%dma_wait3A_791 : memref<1000000x32xf32, #tpu.memory_space<hbm>>) dst(%dma_wait3A_785 : memref<128x32xf32, #tpu.memory_space<vmem>>)
      %dma_wait3A_794 = arith.constant 1 : i32
      %dma_wait3A_795 = arith.constant 4 : i32
      %dma_wait3A_796 = arith.constant 1 : i32
      %dma_wait3A_797 = arith.constant 1 : i32
      %dma_wait3A_798 = arith.constant 0 : i32
      %dma_wait3A_799 = arith.constant 0 : i32
      %dma_wait3A_800 = tpu.memref_slice %arg6[%dma_wait3A_796, %dma_wait3A_798, %dma_wait3A_799] : memref<2x1280x32xf32, #tpu.memory_space<vmem>> -> memref<1x1280x32xf32, #tpu.memory_space<vmem>>
      %dma_wait3A_801 = tpu.memref_squeeze %dma_wait3A_800 : memref<1x1280x32xf32, #tpu.memory_space<vmem>> -> memref<1280x32xf32, #tpu.memory_space<vmem>>
      %dma_wait3A_802 = arith.constant 512 : i32
      %dma_wait3A_803 = arith.constant 0 : i32
      %dma_wait3A_804 = tpu.memref_slice %dma_wait3A_801[%dma_wait3A_802, %dma_wait3A_803] : memref<1280x32xf32, #tpu.memory_space<vmem>> -> memref<128x32xf32, #tpu.memory_space<vmem>>
      %dma_wait3A_805 = arith.constant 0 : i32
      %dma_wait3A_806 = tpu.memref_slice %arg5[%dma_wait3A_794, %dma_wait3A_795, %dma_wait3A_805] : memref<2x10x128xi32, #tpu.memory_space<vmem>> -> memref<1x1x128xi32, #tpu.memory_space<vmem>>
      %dma_wait3A_807 = tpu.memref_squeeze %dma_wait3A_806 : memref<1x1x128xi32, #tpu.memory_space<vmem>> -> memref<128xi32, #tpu.memory_space<vmem>>
      %dma_wait3A_808 = arith.constant 0 : i32
      %dma_wait3A_809 = arith.constant 0 : i32
      %dma_wait3A_810 = tpu.memref_slice %arg3[%dma_wait3A_808, %dma_wait3A_809] : memref<1000000x32xf32, #tpu.memory_space<hbm>> -> memref<1000000x32xf32, #tpu.memory_space<hbm>>
      %dma_wait3A_811 = tpu.memref_slice %arg8[%dma_wait3A_797] : memref<2x!tpu.dma_semaphore, #tpu.memory_space<semaphore_mem>> -> memref<1x!tpu.dma_semaphore, #tpu.memory_space<semaphore_mem>>
      %dma_wait3A_812 = tpu.memref_squeeze %dma_wait3A_811 : memref<1x!tpu.dma_semaphore, #tpu.memory_space<semaphore_mem>> -> memref<!tpu.dma_semaphore, #tpu.memory_space<semaphore_mem>>
      tpu.wait_indirect_dma semaphore(%dma_wait3A_812 : memref<!tpu.dma_semaphore, #tpu.memory_space<semaphore_mem>>) src(%dma_wait3A_810 : memref<1000000x32xf32, #tpu.memory_space<hbm>>) dst(%dma_wait3A_804 : memref<128x32xf32, #tpu.memory_space<vmem>>)
      %dma_wait3A_813 = arith.constant 1 : i32
      %dma_wait3A_814 = arith.constant 5 : i32
      %dma_wait3A_815 = arith.constant 1 : i32
      %dma_wait3A_816 = arith.constant 1 : i32
      %dma_wait3A_817 = arith.constant 0 : i32
      %dma_wait3A_818 = arith.constant 0 : i32
      %dma_wait3A_819 = tpu.memref_slice %arg6[%dma_wait3A_815, %dma_wait3A_817, %dma_wait3A_818] : memref<2x1280x32xf32, #tpu.memory_space<vmem>> -> memref<1x1280x32xf32, #tpu.memory_space<vmem>>
      %dma_wait3A_820 = tpu.memref_squeeze %dma_wait3A_819 : memref<1x1280x32xf32, #tpu.memory_space<vmem>> -> memref<1280x32xf32, #tpu.memory_space<vmem>>
      %dma_wait3A_821 = arith.constant 640 : i32
      %dma_wait3A_822 = arith.constant 0 : i32
      %dma_wait3A_823 = tpu.memref_slice %dma_wait3A_820[%dma_wait3A_821, %dma_wait3A_822] : memref<1280x32xf32, #tpu.memory_space<vmem>> -> memref<128x32xf32, #tpu.memory_space<vmem>>
      %dma_wait3A_824 = arith.constant 0 : i32
      %dma_wait3A_825 = tpu.memref_slice %arg5[%dma_wait3A_813, %dma_wait3A_814, %dma_wait3A_824] : memref<2x10x128xi32, #tpu.memory_space<vmem>> -> memref<1x1x128xi32, #tpu.memory_space<vmem>>
      %dma_wait3A_826 = tpu.memref_squeeze %dma_wait3A_825 : memref<1x1x128xi32, #tpu.memory_space<vmem>> -> memref<128xi32, #tpu.memory_space<vmem>>
      %dma_wait3A_827 = arith.constant 0 : i32
      %dma_wait3A_828 = arith.constant 0 : i32
      %dma_wait3A_829 = tpu.memref_slice %arg3[%dma_wait3A_827, %dma_wait3A_828] : memref<1000000x32xf32, #tpu.memory_space<hbm>> -> memref<1000000x32xf32, #tpu.memory_space<hbm>>
      %dma_wait3A_830 = tpu.memref_slice %arg8[%dma_wait3A_816] : memref<2x!tpu.dma_semaphore, #tpu.memory_space<semaphore_mem>> -> memref<1x!tpu.dma_semaphore, #tpu.memory_space<semaphore_mem>>
      %dma_wait3A_831 = tpu.memref_squeeze %dma_wait3A_830 : memref<1x!tpu.dma_semaphore, #tpu.memory_space<semaphore_mem>> -> memref<!tpu.dma_semaphore, #tpu.memory_space<semaphore_mem>>
      tpu.wait_indirect_dma semaphore(%dma_wait3A_831 : memref<!tpu.dma_semaphore, #tpu.memory_space<semaphore_mem>>) src(%dma_wait3A_829 : memref<1000000x32xf32, #tpu.memory_space<hbm>>) dst(%dma_wait3A_823 : memref<128x32xf32, #tpu.memory_space<vmem>>)
      %dma_wait3A_832 = arith.constant 1 : i32
      %dma_wait3A_833 = arith.constant 6 : i32
      %dma_wait3A_834 = arith.constant 1 : i32
      %dma_wait3A_835 = arith.constant 1 : i32
      %dma_wait3A_836 = arith.constant 0 : i32
      %dma_wait3A_837 = arith.constant 0 : i32
      %dma_wait3A_838 = tpu.memref_slice %arg6[%dma_wait3A_834, %dma_wait3A_836, %dma_wait3A_837] : memref<2x1280x32xf32, #tpu.memory_space<vmem>> -> memref<1x1280x32xf32, #tpu.memory_space<vmem>>
      %dma_wait3A_839 = tpu.memref_squeeze %dma_wait3A_838 : memref<1x1280x32xf32, #tpu.memory_space<vmem>> -> memref<1280x32xf32, #tpu.memory_space<vmem>>
      %dma_wait3A_840 = arith.constant 768 : i32
      %dma_wait3A_841 = arith.constant 0 : i32
      %dma_wait3A_842 = tpu.memref_slice %dma_wait3A_839[%dma_wait3A_840, %dma_wait3A_841] : memref<1280x32xf32, #tpu.memory_space<vmem>> -> memref<128x32xf32, #tpu.memory_space<vmem>>
      %dma_wait3A_843 = arith.constant 0 : i32
      %dma_wait3A_844 = tpu.memref_slice %arg5[%dma_wait3A_832, %dma_wait3A_833, %dma_wait3A_843] : memref<2x10x128xi32, #tpu.memory_space<vmem>> -> memref<1x1x128xi32, #tpu.memory_space<vmem>>
      %dma_wait3A_845 = tpu.memref_squeeze %dma_wait3A_844 : memref<1x1x128xi32, #tpu.memory_space<vmem>> -> memref<128xi32, #tpu.memory_space<vmem>>
      %dma_wait3A_846 = arith.constant 0 : i32
      %dma_wait3A_847 = arith.constant 0 : i32
      %dma_wait3A_848 = tpu.memref_slice %arg3[%dma_wait3A_846, %dma_wait3A_847] : memref<1000000x32xf32, #tpu.memory_space<hbm>> -> memref<1000000x32xf32, #tpu.memory_space<hbm>>
      %dma_wait3A_849 = tpu.memref_slice %arg8[%dma_wait3A_835] : memref<2x!tpu.dma_semaphore, #tpu.memory_space<semaphore_mem>> -> memref<1x!tpu.dma_semaphore, #tpu.memory_space<semaphore_mem>>
      %dma_wait3A_850 = tpu.memref_squeeze %dma_wait3A_849 : memref<1x!tpu.dma_semaphore, #tpu.memory_space<semaphore_mem>> -> memref<!tpu.dma_semaphore, #tpu.memory_space<semaphore_mem>>
      tpu.wait_indirect_dma semaphore(%dma_wait3A_850 : memref<!tpu.dma_semaphore, #tpu.memory_space<semaphore_mem>>) src(%dma_wait3A_848 : memref<1000000x32xf32, #tpu.memory_space<hbm>>) dst(%dma_wait3A_842 : memref<128x32xf32, #tpu.memory_space<vmem>>)
      %dma_wait3A_851 = arith.constant 1 : i32
      %dma_wait3A_852 = arith.constant 7 : i32
      %dma_wait3A_853 = arith.constant 1 : i32
      %dma_wait3A_854 = arith.constant 1 : i32
      %dma_wait3A_855 = arith.constant 0 : i32
      %dma_wait3A_856 = arith.constant 0 : i32
      %dma_wait3A_857 = tpu.memref_slice %arg6[%dma_wait3A_853, %dma_wait3A_855, %dma_wait3A_856] : memref<2x1280x32xf32, #tpu.memory_space<vmem>> -> memref<1x1280x32xf32, #tpu.memory_space<vmem>>
      %dma_wait3A_858 = tpu.memref_squeeze %dma_wait3A_857 : memref<1x1280x32xf32, #tpu.memory_space<vmem>> -> memref<1280x32xf32, #tpu.memory_space<vmem>>
      %dma_wait3A_859 = arith.constant 896 : i32
      %dma_wait3A_860 = arith.constant 0 : i32
      %dma_wait3A_861 = tpu.memref_slice %dma_wait3A_858[%dma_wait3A_859, %dma_wait3A_860] : memref<1280x32xf32, #tpu.memory_space<vmem>> -> memref<128x32xf32, #tpu.memory_space<vmem>>
      %dma_wait3A_862 = arith.constant 0 : i32
      %dma_wait3A_863 = tpu.memref_slice %arg5[%dma_wait3A_851, %dma_wait3A_852, %dma_wait3A_862] : memref<2x10x128xi32, #tpu.memory_space<vmem>> -> memref<1x1x128xi32, #tpu.memory_space<vmem>>
      %dma_wait3A_864 = tpu.memref_squeeze %dma_wait3A_863 : memref<1x1x128xi32, #tpu.memory_space<vmem>> -> memref<128xi32, #tpu.memory_space<vmem>>
      %dma_wait3A_865 = arith.constant 0 : i32
      %dma_wait3A_866 = arith.constant 0 : i32
      %dma_wait3A_867 = tpu.memref_slice %arg3[%dma_wait3A_865, %dma_wait3A_866] : memref<1000000x32xf32, #tpu.memory_space<hbm>> -> memref<1000000x32xf32, #tpu.memory_space<hbm>>
      %dma_wait3A_868 = tpu.memref_slice %arg8[%dma_wait3A_854] : memref<2x!tpu.dma_semaphore, #tpu.memory_space<semaphore_mem>> -> memref<1x!tpu.dma_semaphore, #tpu.memory_space<semaphore_mem>>
      %dma_wait3A_869 = tpu.memref_squeeze %dma_wait3A_868 : memref<1x!tpu.dma_semaphore, #tpu.memory_space<semaphore_mem>> -> memref<!tpu.dma_semaphore, #tpu.memory_space<semaphore_mem>>
      tpu.wait_indirect_dma semaphore(%dma_wait3A_869 : memref<!tpu.dma_semaphore, #tpu.memory_space<semaphore_mem>>) src(%dma_wait3A_867 : memref<1000000x32xf32, #tpu.memory_space<hbm>>) dst(%dma_wait3A_861 : memref<128x32xf32, #tpu.memory_space<vmem>>)
      %dma_wait3A_870 = arith.constant 1 : i32
      %dma_wait3A_871 = arith.constant 8 : i32
      %dma_wait3A_872 = arith.constant 1 : i32
      %dma_wait3A_873 = arith.constant 1 : i32
      %dma_wait3A_874 = arith.constant 0 : i32
      %dma_wait3A_875 = arith.constant 0 : i32
      %dma_wait3A_876 = tpu.memref_slice %arg6[%dma_wait3A_872, %dma_wait3A_874, %dma_wait3A_875] : memref<2x1280x32xf32, #tpu.memory_space<vmem>> -> memref<1x1280x32xf32, #tpu.memory_space<vmem>>
      %dma_wait3A_877 = tpu.memref_squeeze %dma_wait3A_876 : memref<1x1280x32xf32, #tpu.memory_space<vmem>> -> memref<1280x32xf32, #tpu.memory_space<vmem>>
      %dma_wait3A_878 = arith.constant 1024 : i32
      %dma_wait3A_879 = arith.constant 0 : i32
      %dma_wait3A_880 = tpu.memref_slice %dma_wait3A_877[%dma_wait3A_878, %dma_wait3A_879] : memref<1280x32xf32, #tpu.memory_space<vmem>> -> memref<128x32xf32, #tpu.memory_space<vmem>>
      %dma_wait3A_881 = arith.constant 0 : i32
      %dma_wait3A_882 = tpu.memref_slice %arg5[%dma_wait3A_870, %dma_wait3A_871, %dma_wait3A_881] : memref<2x10x128xi32, #tpu.memory_space<vmem>> -> memref<1x1x128xi32, #tpu.memory_space<vmem>>
      %dma_wait3A_883 = tpu.memref_squeeze %dma_wait3A_882 : memref<1x1x128xi32, #tpu.memory_space<vmem>> -> memref<128xi32, #tpu.memory_space<vmem>>
      %dma_wait3A_884 = arith.constant 0 : i32
      %dma_wait3A_885 = arith.constant 0 : i32
      %dma_wait3A_886 = tpu.memref_slice %arg3[%dma_wait3A_884, %dma_wait3A_885] : memref<1000000x32xf32, #tpu.memory_space<hbm>> -> memref<1000000x32xf32, #tpu.memory_space<hbm>>
      %dma_wait3A_887 = tpu.memref_slice %arg8[%dma_wait3A_873] : memref<2x!tpu.dma_semaphore, #tpu.memory_space<semaphore_mem>> -> memref<1x!tpu.dma_semaphore, #tpu.memory_space<semaphore_mem>>
      %dma_wait3A_888 = tpu.memref_squeeze %dma_wait3A_887 : memref<1x!tpu.dma_semaphore, #tpu.memory_space<semaphore_mem>> -> memref<!tpu.dma_semaphore, #tpu.memory_space<semaphore_mem>>
      tpu.wait_indirect_dma semaphore(%dma_wait3A_888 : memref<!tpu.dma_semaphore, #tpu.memory_space<semaphore_mem>>) src(%dma_wait3A_886 : memref<1000000x32xf32, #tpu.memory_space<hbm>>) dst(%dma_wait3A_880 : memref<128x32xf32, #tpu.memory_space<vmem>>)
      %dma_wait3A_889 = arith.constant 1 : i32
      %dma_wait3A_890 = arith.constant 9 : i32
      %dma_wait3A_891 = arith.constant 1 : i32
      %dma_wait3A_892 = arith.constant 1 : i32
      %dma_wait3A_893 = arith.constant 0 : i32
      %dma_wait3A_894 = arith.constant 0 : i32
      %dma_wait3A_895 = tpu.memref_slice %arg6[%dma_wait3A_891, %dma_wait3A_893, %dma_wait3A_894] : memref<2x1280x32xf32, #tpu.memory_space<vmem>> -> memref<1x1280x32xf32, #tpu.memory_space<vmem>>
      %dma_wait3A_896 = tpu.memref_squeeze %dma_wait3A_895 : memref<1x1280x32xf32, #tpu.memory_space<vmem>> -> memref<1280x32xf32, #tpu.memory_space<vmem>>
      %dma_wait3A_897 = arith.constant 1152 : i32
      %dma_wait3A_898 = arith.constant 0 : i32
      %dma_wait3A_899 = tpu.memref_slice %dma_wait3A_896[%dma_wait3A_897, %dma_wait3A_898] : memref<1280x32xf32, #tpu.memory_space<vmem>> -> memref<128x32xf32, #tpu.memory_space<vmem>>
      %dma_wait3A_900 = arith.constant 0 : i32
      %dma_wait3A_901 = tpu.memref_slice %arg5[%dma_wait3A_889, %dma_wait3A_890, %dma_wait3A_900] : memref<2x10x128xi32, #tpu.memory_space<vmem>> -> memref<1x1x128xi32, #tpu.memory_space<vmem>>
      %dma_wait3A_902 = tpu.memref_squeeze %dma_wait3A_901 : memref<1x1x128xi32, #tpu.memory_space<vmem>> -> memref<128xi32, #tpu.memory_space<vmem>>
      %dma_wait3A_903 = arith.constant 0 : i32
      %dma_wait3A_904 = arith.constant 0 : i32
      %dma_wait3A_905 = tpu.memref_slice %arg3[%dma_wait3A_903, %dma_wait3A_904] : memref<1000000x32xf32, #tpu.memory_space<hbm>> -> memref<1000000x32xf32, #tpu.memory_space<hbm>>
      %dma_wait3A_906 = tpu.memref_slice %arg8[%dma_wait3A_892] : memref<2x!tpu.dma_semaphore, #tpu.memory_space<semaphore_mem>> -> memref<1x!tpu.dma_semaphore, #tpu.memory_space<semaphore_mem>>
      %dma_wait3A_907 = tpu.memref_squeeze %dma_wait3A_906 : memref<1x!tpu.dma_semaphore, #tpu.memory_space<semaphore_mem>> -> memref<!tpu.dma_semaphore, #tpu.memory_space<semaphore_mem>>
      tpu.wait_indirect_dma semaphore(%dma_wait3A_907 : memref<!tpu.dma_semaphore, #tpu.memory_space<semaphore_mem>>) src(%dma_wait3A_905 : memref<1000000x32xf32, #tpu.memory_space<hbm>>) dst(%dma_wait3A_899 : memref<128x32xf32, #tpu.memory_space<vmem>>)
      %mul3A_908 = arith.constant 1280 : i32
      %mul3A_909 = arith.muli %add3A_496, %mul3A_908 : i32
      %add3A_910 = arith.addi %mul3A_4, %mul3A_909 : i32
      %dma_start3A_911 = arith.constant 1 : i32
      %dma_start3A_912 = arith.constant 1 : i32
      %dma_start3A_913 = arith.constant 0 : i32
      %dma_start3A_914 = arith.constant 0 : i32
      %dma_start3A_915 = tpu.memref_slice %arg6[%dma_start3A_911, %dma_start3A_913, %dma_start3A_914] : memref<2x1280x32xf32, #tpu.memory_space<vmem>> -> memref<1x1280x32xf32, #tpu.memory_space<vmem>>
      %dma_start3A_916 = tpu.memref_squeeze %dma_start3A_915 : memref<1x1280x32xf32, #tpu.memory_space<vmem>> -> memref<1280x32xf32, #tpu.memory_space<vmem>>
      %dma_start3A_917 = arith.constant 0 : i32
      %dma_start3A_918 = tpu.memref_slice %arg4[%add3A_910, %dma_start3A_917] : memref<819200x32xf32, #tpu.memory_space<hbm>> -> memref<1280x32xf32, #tpu.memory_space<hbm>>
      %dma_start3A_919 = tpu.memref_slice %arg9[%dma_start3A_912] : memref<2x!tpu.dma_semaphore, #tpu.memory_space<semaphore_mem>> -> memref<1x!tpu.dma_semaphore, #tpu.memory_space<semaphore_mem>>
      %dma_start3A_920 = tpu.memref_squeeze %dma_start3A_919 : memref<1x!tpu.dma_semaphore, #tpu.memory_space<semaphore_mem>> -> memref<!tpu.dma_semaphore, #tpu.memory_space<semaphore_mem>>
      %dma_start3A_921 = arith.constant 0 : i32
      %dma_start3A_922 = tpu.memref_slice %arg4[%add3A_910, %dma_start3A_921] : memref<819200x32xf32, #tpu.memory_space<hbm>> -> memref<1280x32xf32, #tpu.memory_space<hbm>>
      %dma_start3A_923 = arith.constant 0 : i32
      %dma_start3A_924 = arith.constant 0 : i32
      %dma_start3A_925 = tpu.memref_slice %arg6[%dma_start3A_911, %dma_start3A_923, %dma_start3A_924] : memref<2x1280x32xf32, #tpu.memory_space<vmem>> -> memref<1x1280x32xf32, #tpu.memory_space<vmem>>
      %dma_start3A_926 = tpu.memref_squeeze %dma_start3A_925 : memref<1x1280x32xf32, #tpu.memory_space<vmem>> -> memref<1280x32xf32, #tpu.memory_space<vmem>>
      tpu.enqueue_dma source(%dma_start3A_926 : memref<1280x32xf32, #tpu.memory_space<vmem>>) target(%dma_start3A_922 : memref<1280x32xf32, #tpu.memory_space<hbm>>) target_semaphore(%dma_start3A_920 : memref<!tpu.dma_semaphore, #tpu.memory_space<semaphore_mem>>)
    }
    %scan3A_26 = arith.constant 10 : i32
    %add3A_27 = arith.constant 23040 : i32
    %add3A_28 = arith.addi %mul3A_4, %add3A_27 : i32
    %dma_wait3A = arith.constant 0 : i32
    %dma_wait3A_29 = arith.constant 0 : i32
    %dma_wait3A_30 = arith.constant 0 : i32
    %dma_wait3A_31 = arith.constant 0 : i32
    %dma_wait3A_32 = tpu.memref_slice %arg6[%dma_wait3A, %dma_wait3A_30, %dma_wait3A_31] : memref<2x1280x32xf32, #tpu.memory_space<vmem>> -> memref<1x1280x32xf32, #tpu.memory_space<vmem>>
    %dma_wait3A_33 = tpu.memref_squeeze %dma_wait3A_32 : memref<1x1280x32xf32, #tpu.memory_space<vmem>> -> memref<1280x32xf32, #tpu.memory_space<vmem>>
    %dma_wait3A_34 = arith.constant 0 : i32
    %dma_wait3A_35 = tpu.memref_slice %arg4[%add3A_28, %dma_wait3A_34] : memref<819200x32xf32, #tpu.memory_space<hbm>> -> memref<1280x32xf32, #tpu.memory_space<hbm>>
    %dma_wait3A_36 = tpu.memref_slice %arg9[%dma_wait3A_29] : memref<2x!tpu.dma_semaphore, #tpu.memory_space<semaphore_mem>> -> memref<1x!tpu.dma_semaphore, #tpu.memory_space<semaphore_mem>>
    %dma_wait3A_37 = tpu.memref_squeeze %dma_wait3A_36 : memref<1x!tpu.dma_semaphore, #tpu.memory_space<semaphore_mem>> -> memref<!tpu.dma_semaphore, #tpu.memory_space<semaphore_mem>>
    %dma_wait3A_38 = arith.constant 0 : i32
    %dma_wait3A_39 = tpu.memref_slice %arg4[%add3A_28, %dma_wait3A_38] : memref<819200x32xf32, #tpu.memory_space<hbm>> -> memref<1280x32xf32, #tpu.memory_space<hbm>>
    %dma_wait3A_40 = arith.constant 0 : i32
    %dma_wait3A_41 = arith.constant 0 : i32
    %dma_wait3A_42 = tpu.memref_slice %arg6[%dma_wait3A, %dma_wait3A_40, %dma_wait3A_41] : memref<2x1280x32xf32, #tpu.memory_space<vmem>> -> memref<1x1280x32xf32, #tpu.memory_space<vmem>>
    %dma_wait3A_43 = tpu.memref_squeeze %dma_wait3A_42 : memref<1x1280x32xf32, #tpu.memory_space<vmem>> -> memref<1280x32xf32, #tpu.memory_space<vmem>>
    tpu.wait_dma2 semaphore(%dma_wait3A_37 : memref<!tpu.dma_semaphore, #tpu.memory_space<semaphore_mem>>) src(%dma_wait3A_43 : memref<1280x32xf32, #tpu.memory_space<vmem>>) dst(%dma_wait3A_39 : memref<1280x32xf32, #tpu.memory_space<hbm>>)
    %add3A_44 = arith.constant 24320 : i32
    %add3A_45 = arith.addi %mul3A_4, %add3A_44 : i32
    %dma_wait3A_46 = arith.constant 1 : i32
    %dma_wait3A_47 = arith.constant 1 : i32
    %dma_wait3A_48 = arith.constant 0 : i32
    %dma_wait3A_49 = arith.constant 0 : i32
    %dma_wait3A_50 = tpu.memref_slice %arg6[%dma_wait3A_46, %dma_wait3A_48, %dma_wait3A_49] : memref<2x1280x32xf32, #tpu.memory_space<vmem>> -> memref<1x1280x32xf32, #tpu.memory_space<vmem>>
    %dma_wait3A_51 = tpu.memref_squeeze %dma_wait3A_50 : memref<1x1280x32xf32, #tpu.memory_space<vmem>> -> memref<1280x32xf32, #tpu.memory_space<vmem>>
    %dma_wait3A_52 = arith.constant 0 : i32
    %dma_wait3A_53 = tpu.memref_slice %arg4[%add3A_45, %dma_wait3A_52] : memref<819200x32xf32, #tpu.memory_space<hbm>> -> memref<1280x32xf32, #tpu.memory_space<hbm>>
    %dma_wait3A_54 = tpu.memref_slice %arg9[%dma_wait3A_47] : memref<2x!tpu.dma_semaphore, #tpu.memory_space<semaphore_mem>> -> memref<1x!tpu.dma_semaphore, #tpu.memory_space<semaphore_mem>>
    %dma_wait3A_55 = tpu.memref_squeeze %dma_wait3A_54 : memref<1x!tpu.dma_semaphore, #tpu.memory_space<semaphore_mem>> -> memref<!tpu.dma_semaphore, #tpu.memory_space<semaphore_mem>>
    %dma_wait3A_56 = arith.constant 0 : i32
    %dma_wait3A_57 = tpu.memref_slice %arg4[%add3A_45, %dma_wait3A_56] : memref<819200x32xf32, #tpu.memory_space<hbm>> -> memref<1280x32xf32, #tpu.memory_space<hbm>>
    %dma_wait3A_58 = arith.constant 0 : i32
    %dma_wait3A_59 = arith.constant 0 : i32
    %dma_wait3A_60 = tpu.memref_slice %arg6[%dma_wait3A_46, %dma_wait3A_58, %dma_wait3A_59] : memref<2x1280x32xf32, #tpu.memory_space<vmem>> -> memref<1x1280x32xf32, #tpu.memory_space<vmem>>
    %dma_wait3A_61 = tpu.memref_squeeze %dma_wait3A_60 : memref<1x1280x32xf32, #tpu.memory_space<vmem>> -> memref<1280x32xf32, #tpu.memory_space<vmem>>
    tpu.wait_dma2 semaphore(%dma_wait3A_55 : memref<!tpu.dma_semaphore, #tpu.memory_space<semaphore_mem>>) src(%dma_wait3A_61 : memref<1280x32xf32, #tpu.memory_space<vmem>>) dst(%dma_wait3A_57 : memref<1280x32xf32, #tpu.memory_space<hbm>>)
    return
  }
}

</mosaic_0001>

<sc_bundles>
// kernel: kernel.3.cloned.1.call-start
scs
__scs_entry_jumppad:
0x0: {  	(pc) =	sbr.rel $0x88, $3  }
0x1: {  	(tag) =	ssettag $0x0;
	lr =	simm.s32 $0x1  }
0x2: {  	[smem:$0x3F9F] =	sst lr;
	_ =	strace $0xD0000000  }
0x3: {  	_ = 	snop  }
0x4: {  	_ = 	snop  }
0x5: {  	_ = 	snop  }
0x6: {  	_ = 	snop  }
0x7: {  	_ = 	snop  }
__scs_overlays_trampoline_lowered:
0x8: {  	[smem:$0x3FAE] =	sst s0  }
0x9: {  	[smem:$0x3FAF] =	sst s1  }
0xa: {  	[smem:$0x3FB0] =	sst s2  }
0xb: {  	[smem:$0x3FB1] =	sst s3  }
0xc: {  	[smem:$0x3FB2] =	sst s4  }
0xd: {  	[smem:$0x3FB3] =	sst s5  }
0xe: {  	[smem:$0x3FB4] =	sst s6  }
0xf: {  	[smem:$0x3FB5] =	sst s7  }
0x10: {  	[smem:$0x3FB6] =	sst s8  }
0x11: {  	[smem:$0x3FB7] =	sst s9;
	s0 =	simm.s32 @!p0 $0x0  }
0x12: {  	s1 =	sld [smem:$0x3F9D];
	s0 =	simm.s32 @p0 $0x1  }
0x13: {  	[smem:$0x3FB8] =	sst s0;
	s0 =	simm.s32 @!p1 $0x0  }
0x14: {  	s2 =	sld [smem:$0x3F9C];
	s0 =	simm.s32 @p1 $0x1  }
0x15: {  	[smem:$0x3FB9] =	sst s0;
	s0 =	simm.s32 @!p2 $0x0  }
0x16: {  	s3 =	sld [smem:$0x3FDB];
	s0 =	simm.s32 @p2 $0x1  }
0x17: {  	s4 =	simm.s32 $0x1BF5;
	[smem:$0x3FBB] =	sst s0  }
0x18: {  	s0 =	sld [smem:$0x3F9E];
	_ =	swait.ge [sflag:s4], $0x0  }
0x19: {  	s7 =	sld [smem:$0x3F9F]  }
0x1a: {  	s8 =	sadd.s32 $0xFFFFE003, lr  }
0x1b: {  	s9 =	sadd.s32 $0xFFFFFEF7, lr;
	s5 =	simm.s32 $0xFFFFFFFF;
	p2 =	slt.u32 s8, $0xFFFFF086  }
0x1c: {  	p1 =	slt.u32 s9, $0xF7A;
	s5 =	simm.s32 @!p2 $0x0  }
0x1d: {  	s5 =	simm.s32 @p1 $0x1;
	p0 =	seq.s32 s7, s2  }
0x1e: {  	s7 =	smul.u32 @!p0 $0xF7A, s2;
	p2 =	seq.s32 @!p0 s5, $0x0  }
0x1f: {  	s9 =	smul.u32 $0xF7A, s1;
	s8 =	simm.s32 @!p0 $0x1BF5;
	p2 =	por !p2, p0  }
0x20: {  	[sflag:s8] =	ssyncset.s32 @!p0 $0xFFFFF086;
	s6 =	sadd.s32 @!p0 s3, s7;
	s7 =	simm.s32 @!p0 $0x108  }
0x21: {  	s3 =	sadd.s32 s3, s9;
	s6 =	sadd.s32 @!p0 $0x88, s6;
	s7 =	simm.s32 @p2 $0x1082  }
0x22: {  	[simem:s7], [sflag:s8] =	dma.local @!p0 [hbm:s6], $0xF7A  }
0x23: {  	s9 =	sor.u32 $0xD0000000, s2;
	s6 =	simm.s32 $0x108;
	_ =	swait.ge @!p0 [sflag:s8], $0x0  }
0x24: {  	s3 =	sadd.s32 $0x88, s3;
	s6 =	simm.s32 @!p1 $0x1082;
	[sflag:s4] =	ssyncset.s32 $0xFFFFF086  }
0x25: {  	[simem:s6], [sflag:s4] =	dma.local [hbm:s3], $0xF7A  }
0x26: {  	[smem:$0x3F9F] =	sst s1;
	(tag) =	ssettag s2;
	_ =	strace s9  }
0x27: {  	s1 =	sld [smem:$0x3FAF]  }
0x28: {  	s2 =	sld [smem:$0x3FB0]  }
0x29: {  	s4 =	sld [smem:$0x3FB2]  }
0x2a: {  	p0 =	seq.s32 s5, $0x0;
	s5 =	sld [smem:$0x3FB3]  }
0x2b: {  	s6 =	sld [smem:$0x3FB4]  }
0x2c: {  	s7 =	sld [smem:$0x3FB5]  }
0x2d: {  	s3 =	simm.s32 $0x108;
	s8 =	sld [smem:$0x3FB6]  }
0x2e: {  	s3 =	simm.s32 @!p0 $0x1082;
	s9 =	sld [smem:$0x3FB7]  }
0x2f: {  	lr =	sadd.s32 s0, s3;
	s0 =	sld [smem:$0x3FAE]  }
0x30: {  	s3 =	sld [smem:$0x3FB1]  }
0x31: {  	[smem:$0x3FBA] =	sst s10  }
0x32: {  	s10 =	sld [smem:$0x3FB8];
	_ =	sdelay $0x3  }
0x33: {  	p0 =	seq.s32 s10, $0x1;
	s10 =	sld [smem:$0x3FBA];
	_ =	sdelay $0x3  }
0x34: {  	[smem:$0x3FBA] =	sst s10  }
0x35: {  	s10 =	sld [smem:$0x3FB9];
	_ =	sdelay $0x3  }
0x36: {  	p1 =	seq.s32 s10, $0x1;
	s10 =	sld [smem:$0x3FBA];
	_ =	sdelay $0x3  }
0x37: {  	[smem:$0x3FBA] =	sst s10  }
0x38: {  	s10 =	sld [smem:$0x3FBB]  }
0x39: {  	_ = 	snop;
	(pc) =	sbr.ind lr, $3  }
0x3a: {  	_ = 	snop  }
0x3b: {  	_ = 	snop  }
0x3c: {  	p2 =	seq.s32 s10, $0x1;
	s10 =	sld [smem:$0x3FBA]  }
0x3d: {  	_ =	shalt  }
0x3e: {  	_ =	shalt  }
0x3f: {  	_ =	shalt  }
0x40: {  	_ =	shalt  }
0x41: {  	_ =	shalt  }
0x42: {  	_ =	shalt  }
0x43: {  	_ =	shalt  }
0x44: {  	_ =	shalt  }
0x45: {  	_ =	shalt  }
0x46: {  	_ =	shalt  }
0x47: {  	_ =	shalt  }
0x48: {  	_ =	shalt  }
0x49: {  	_ =	shalt  }
0x4a: {  	_ =	shalt  }
0x4b: {  	_ =	shalt  }
0x4c: {  	_ =	shalt  }
0x4d: {  	_ =	shalt  }
0x4e: {  	_ =	shalt  }
0x4f: {  	_ =	shalt  }
0x50: {  	_ =	shalt  }
0x51: {  	_ =	shalt  }
0x52: {  	_ =	shalt  }
0x53: {  	_ =	shalt  }
0x54: {  	_ =	shalt  }
0x55: {  	_ =	shalt  }
0x56: {  	_ =	shalt  }
0x57: {  	_ =	shalt  }
0x58: {  	_ =	shalt  }
0x59: {  	_ =	shalt  }
0x5a: {  	_ =	shalt  }
0x5b: {  	_ =	shalt  }
0x5c: {  	_ =	shalt  }
0x5d: {  	_ =	shalt  }
0x5e: {  	_ =	shalt  }
0x5f: {  	_ =	shalt  }
0x60: {  	_ =	shalt  }
0x61: {  	_ =	shalt  }
0x62: {  	_ =	shalt  }
0x63: {  	_ =	shalt  }
0x64: {  	_ =	shalt  }
0x65: {  	_ =	shalt  }
0x66: {  	_ =	shalt  }
0x67: {  	_ =	shalt  }
0x68: {  	_ =	shalt  }
0x69: {  	_ =	shalt  }
0x6a: {  	_ =	shalt  }
0x6b: {  	_ =	shalt  }
0x6c: {  	_ =	shalt  }
0x6d: {  	_ =	shalt  }
0x6e: {  	_ =	shalt  }
0x6f: {  	_ =	shalt  }
0x70: {  	_ =	shalt  }
0x71: {  	_ =	shalt  }
0x72: {  	_ =	shalt  }
0x73: {  	_ =	shalt  }
0x74: {  	_ =	shalt  }
0x75: {  	_ =	shalt  }
0x76: {  	_ =	shalt  }
0x77: {  	_ =	shalt  }
0x78: {  	_ =	shalt  }
0x79: {  	_ =	shalt  }
0x7a: {  	_ =	shalt  }
0x7b: {  	_ =	shalt  }
0x7c: {  	_ =	shalt  }
0x7d: {  	_ =	shalt  }
0x7e: {  	_ =	shalt  }
0x7f: {  	_ =	shalt  }
0x80: {  	_ =	shalt  }
0x81: {  	_ =	shalt  }
0x82: {  	_ =	shalt  }
0x83: {  	_ =	shalt  }
0x84: {  	_ =	shalt  }
0x85: {  	_ =	shalt  }
0x86: {  	_ =	shalt  }
0x87: {  	_ =	shalt  }
.Lfunc_end0:
.L_simem_size_0:
called_computation.1_lowered:
.L_overlay_start_0:
0x88: {  	s2 =	sld [smem:$0x3FD9]  }
0x89: {  	s3 =	sld [smem:$0x3FFE];
	_ =	sdelay $0x1  }
0x8a: {  	s1 =	srdreg.scid  }
0x8b: {  	s0 =	sand.u32 $0x1, s1  }
0x8c: {  	s17 =	sshll.u32 s0, $0xA;
	s2 =	sadd.s32 s3, s2  }
0x8d: {  	s2 =	sadd.s32 s2, s17  }
0x8e: {  	[smem:$0x3FC6] =	sst s2  }
0x8f: {  	_ = 	snop  }
0x90: {  	s2 =	sld [smem:$0x3FD0];
	(tm) =	ssettm $0x1  }
0x91: {  	s18 =	sld [smem:$0x3FFB];
	_ =	sdelay $0x3  }
0x92: {  	_ =	strace s18  }
0x93: {  	s3 =	sld [smem:$0x3FFC];
	_ =	sdelay $0x3  }
0x94: {  	_ =	strace s3  }
0x95: {  	s3 =	sld [smem:$0x3FFD];
	_ =	sdelay $0x3  }
0x96: {  	_ =	strace s3  }
0x97: {  	_ =	strace $0x8FFFFFFF  }
0x98: {  	s19 =	sld [smem:$0x3FDB];
	_ =	sdelay $0x1  }
0x99: {  	s4 =	simm.s32 $_scs_section_size  }
0x9a: {  	s5 =	simm.s32 $_size__tile_overlayer_lowered;
	s6 =	simm.s32 $_tile_overlayer_lowered  }
0x9b: {  	s22 =	simm.s32 $0x1BFF;
	s21 =	sshll.u32 s6, $0x1;
	s3 =	sadd.s32 s4, s19  }
0x9c: {  	s7 =	simm.s32 $0x0;
	s20 =	sshll.u32 s5, $0x1;
	s5 =	sadd.s32 s21, s3  }
0x9d: {  	[timem:s7], [sflag:s22] =	dma.local [hbm:s5], s20  }
0x9e: {  	_ =	swait.ge [sflag:s22], s20  }
0x9f: {  	s4 =	ssub.s32 $0x0, s20;
	[sflag:s22] =	ssyncset.done $0x0  }
0xa0: {  	[sflag:s22] =	ssyncadd.s32 s4;
	_ =	sdelay $0x1  }
0xa1: {  	s23 =	simm.s32 $0x1B8B  }
0xa2: {  	_ =	swait.ge [sflag:s23], $0x1  }
0xa3: {  	[sflag:s23] =	ssyncset.done $0x0  }
0xa4: {  	s25 =	simm.s32 $0x1B8E;
	s24 =	sld [smem:$0x3FFE];
	[sflag:s23] =	ssyncadd.s32 $0xFFFFFFFF  }
0xa5: {  	s26 =	simm.s32 $execute0_lowered;
	[smem:$0x3FD2] =	sst s25  }
0xa6: {  	s5 =	sshll.u32 s26, $0x1;
	_ =	strace $0x80000046;
	[dreg:$0x1] =	wrdreg $0xFFFFFFFF  }
0xa7: {  	s28 =	simm.s32 $_size_execute0_lowered;
	s3 =	sadd.s32 s3, s5;
	[dreg:$0x0] =	wrdreg $0x0  }
0xa8: {  	s5 =	sshll.u32 s28, $0x1;
	[dreg:$0x2] =	wrdreg s3  }
0xa9: {  	[dreg:$0x3] =	wrdreg s5  }
0xaa: {  	[dreg:$0x4] =	wrdreg $0xC0  }
0xab: {  	_ =	task [dreg:s7], $0x5FFFF  }
0xac: {  	[dreg:$0x1] =	wrdreg $0xFFFFFFFF  }
0xad: {  	[dreg:$0x0] =	wrdreg $0x60  }
0xae: {  	[dreg:$0x2] =	wrdreg s24  }
0xaf: {  	[dreg:$0x3] =	wrdreg s2  }
0xb0: {  	[dreg:$0x4] =	wrdreg $0x9  }
0xb1: {  	_ =	task.clear_ibuf [dreg:s7], $0x5FFFF;
	_ =	strace $0x90000046  }
0xb2: {  	s29 =	simm.s32 $0x9;
	_ =	strace $0x80000048  }
0xb3: {  	_ =	swait.ge [sflag:s29], $0x1  }
0xb4: {  	[sflag:s29] =	ssyncadd.s32 $0xFFFFFFFF  }
0xb5: {  	_ =	strace $0x90000048  }
0xb6: {  	_ =	sfence  }
0xb7: {  	s30 =	sld [smem:$0x0];
	_ =	sdelay $0x2  }
0xb8: {  	s31 =	sshll.u32 s1, $0xD;
	s1 =	sshrl.u32 s1, $0x2  }
0xb9: {  	s3 =	sand.u32 $0x4000, s31;
	s1 =	sadd.s32 s1, s30  }
0xba: {  	s0 =	sor.u32 s3, s0;
	s1 =	sshll.u32 s1, $0x11  }
0xbb: {  	s0 =	sor.u32 s1, s0  }
0xbc: {  	s0 =	sadd.s32 $0x8F2B, s0  }
0xbd: {  	[sflag:s0] =	ssyncadd.remote.s32 $0x1  }
0xbe: {  	_ =	sfence.sel $0xFFFF  }
0xbf: {  	[dreg:$0x0] =	wrdreg $0xFFFFFFFF;
	(pc) =	sbr.abs _section_cstart, $3  }
0xc0: {  	[dreg:$0x1] =	wrdreg $0xFFFFFFFF  }
0xc1: {  	_ =	task.clear_ibuf [dreg:s7], $0x2FFFF;
	_ =	strace $0x9FFFFFFF  }
0xc2: {  	(tm) =	ssettm $0x7FFFFFFF  }
0xc3: {  	_ =	shalt  }
tec
execute0_lowered:
.L_overlay_start_1:
0x0: {  	(tag) =	ssettag $0x1  }
0x1: {  	s0 =	rddreg [dreg:$0x0];
	s1 =	srdreg.scid  }
0x2: {  	s11 =	stileid.u32;
	s4 =	rddreg [dreg:$0x1];
	s2 =	simm.s32 $0x0  }
0x3: {  	s12 =	simm.s32 $0x80;
	s13 =	simm.s32 $0xA00;
	s16 =	simm.s32 $0xDA00  }
0x4: {  	s17 =	simm.s32 $0x700;
	s18 =	simm.s32 $0xEA00;
	s19 =	simm.s32 $0x780  }
0x5: {  	s28 =	simm.s32 $0x980;
	s29 =	simm.s32 $0x13A00;
	s6 =	smul.u32 $0x190, s11  }
0x6: {  	s30 =	simm.s32 $0x4;
	s31 =	simm.s32 $0x6;
	s10 =	smul.u32 $0xC800, s11  }
0x7: {  	s1 =	sand.u32 $0x1, s1;
	s3 =	sshll.u32 s11, $0x1;
	s23 =	smul.u32 $0x32000, s11  }
0x8: {  	[smem:$0x7FF] =	sst s2;
	s7 =	sadd.s32 $0xA00, s0;
	s9 =	smul.u32 $0xC8, s1  }
0x9: {  	s11 =	simm.s32 $0x500;
	s3 =	sor.u32 s1, s3;
	s21 =	smul.u32 $0x6400, s1  }
0xa: {  	_ =	strace $0x80000047;
	s8 =	ssub.s32 $0x2, s1;
	s1 =	smul.u32 $0x19000, s1  }
0xb: {  	s5 =	smul.u32 $0xC80, s3;
	s3 =	sadd.s32 $0xF42E00, s0;
	s20 =	sshrl.u32 s8, $0x1  }
0xc: {  	s24 =	sadd.s32 s23, s4;
	s23 =	simm.s32 $0x880;
	s0 =	ssub.s32 s8, s20  }
0xd: {  	s22 =	sadd.s32 s9, s6;
	s1 =	sadd.s32 s1, s24;
	s20 =	simm.s32 $0xFA00  }
0xe: {  	s24 =	simm.s32 $0x11A00;
	s5 =	sadd.s32 s7, s5;
	[dreg:$0x5] =	wrdreg s1  }
0xf: {  	s0 =	smax.u32 s0, $0x1;
	s1 =	simm.s32 $0x3;
	[dreg:$0x3] =	wrdreg s5  }
0x10: {  	[dreg:$0x4] =	wrdreg s0;
	s0 =	sshll.u32 s22, $0x4;
	s5 =	sadd.s32 s21, s10  }
0x11: {  	s10 =	simm.s32 $0x1;
	s21 =	simm.s32 $0x800;
	s22 =	simm.s32 $0x10A00  }
0x12: {  	s0 =	sadd.s32 s7, s0;
	s5 =	sshll.u32 s5, $0x2;
	s7 =	simm.s32 $0x0  }
0x13: {  	s6 =	sadd.s32 $0x140, s0;
	s25 =	sadd.s32 s4, s5;
	s8 =	sadd.s32 $0xA0, s0  }
0x14: {  	s0 =	simm.s32 $0x2;
	s4 =	simm.s32 $0xAA00;
	s26 =	sadd.s32 $0x1400, s25  }
0x15: {  	s25 =	simm.s32 $0x900;
	[dreg:$0x6] =	wrdreg s26;
	s26 =	simm.s32 $0x12A00  }
.LBB2_1:
0x16: {  	[dreg:$0x7] =	wrdreg s7  }
0x17: {  	s5 =	rddreg [dreg:$0x3]  }
0x18: {  	s7 =	rddreg [dreg:$0x5]  }
0x19: {  	[tilespmem:s2], [sflag:$0x1] =	stream.linear.gather [hbm4b:s5+s2], $0x500, $0x38;
	[tilespmem:$0x14A00] =	vst v63  }
0x1a: {  	s9 =	simm.s32 $0x0;
	s5 =	rddreg [dreg:$0x6]  }
.LBB2_2:
0x1b: {  	_ =	swait.ge [sflag:s10], $0x500  }
0x1c: {  	[sflag:s10] =	ssyncset.done $0x0  }
0x1d: {  	s14 =	sadd.s32 s9, s8;
	p0 =	seq.s32 s9, $0x0;
	[sflag:s10] =	ssyncadd.s32 $0xFFFFFB00  }
0x1e: {  	[tilespmem:s11], [sflag:$0x2] =	stream.linear.gather [hbm4b:s14+s2], $0x500, $0x38;
	[tilespmem:$0x14A00] =	vst v63  }
0x1f: {  	s14 =	simm.s32 @!p0 $0x5  }
0x20: {  	_ =	swait.ge @!p0 [sflag:s14], $0xA000  }
0x21: {  	[sflag:s14] =	ssyncset.done @!p0 $0x0  }
0x22: {  	[sflag:s14] =	ssyncadd.s32 @!p0 $0xFFFF6000  }
0x23: {  	[tilespmem:s13], [sflag:$0x3] =	stream.indirect.gather [hbm4b:s3+s12], $0x20, s2, s12, $0xb8;
	[tilespmem:$0x14A00] =	vst v63  }
0x24: {  	s15 =	simm.s32 $0x1A00  }
0x25: {  	[tilespmem:s15], [sflag:$0x3] =	stream.indirect.gather [hbm4b:s3+s12], $0x20, s12, s12, $0xb8;
	[tilespmem:$0x14A00] =	vst v63  }
0x26: {  	s14 =	simm.s32 $0x100;
	s15 =	simm.s32 $0x2A00  }
0x27: {  	[tilespmem:s15], [sflag:$0x3] =	stream.indirect.gather [hbm4b:s3+s12], $0x20, s14, s12, $0xb8;
	[tilespmem:$0x14A00] =	vst v63  }
0x28: {  	s14 =	simm.s32 $0x180;
	s15 =	simm.s32 $0x3A00  }
0x29: {  	[tilespmem:s15], [sflag:$0x3] =	stream.indirect.gather [hbm4b:s3+s12], $0x20, s14, s12, $0xb8;
	[tilespmem:$0x14A00] =	vst v63  }
0x2a: {  	s14 =	simm.s32 $0x200;
	s15 =	simm.s32 $0x4A00  }
0x2b: {  	[tilespmem:s15], [sflag:$0x3] =	stream.indirect.gather [hbm4b:s3+s12], $0x20, s14, s12, $0xb8;
	[tilespmem:$0x14A00] =	vst v63  }
0x2c: {  	s14 =	simm.s32 $0x280;
	s15 =	simm.s32 $0x5A00  }
0x2d: {  	[tilespmem:s15], [sflag:$0x3] =	stream.indirect.gather [hbm4b:s3+s12], $0x20, s14, s12, $0xb8;
	[tilespmem:$0x14A00] =	vst v63  }
0x2e: {  	s14 =	simm.s32 $0x300;
	s15 =	simm.s32 $0x6A00  }
0x2f: {  	[tilespmem:s15], [sflag:$0x3] =	stream.indirect.gather [hbm4b:s3+s12], $0x20, s14, s12, $0xb8;
	[tilespmem:$0x14A00] =	vst v63  }
0x30: {  	s14 =	simm.s32 $0x380;
	s15 =	simm.s32 $0x7A00  }
0x31: {  	[tilespmem:s15], [sflag:$0x3] =	stream.indirect.gather [hbm4b:s3+s12], $0x20, s14, s12, $0xb8;
	[tilespmem:$0x14A00] =	vst v63  }
0x32: {  	s14 =	simm.s32 $0x400;
	s15 =	simm.s32 $0x8A00  }
0x33: {  	[tilespmem:s15], [sflag:$0x3] =	stream.indirect.gather [hbm4b:s3+s12], $0x20, s14, s12, $0xb8;
	[tilespmem:$0x14A00] =	vst v63  }
0x34: {  	s14 =	simm.s32 $0x480;
	s15 =	simm.s32 $0x9A00  }
0x35: {  	[tilespmem:s15], [sflag:$0x3] =	stream.indirect.gather [hbm4b:s3+s12], $0x20, s14, s12, $0xb8;
	[tilespmem:$0x14A00] =	vst v63  }
0x36: {  	_ =	swait.ge [sflag:s1], $0x1000  }
0x37: {  	[sflag:s1] =	ssyncset.done $0x0  }
0x38: {  	[sflag:s1] =	ssyncadd.s32 $0xFFFFF000  }
0x39: {  	_ =	swait.ge [sflag:s1], $0x1000  }
0x3a: {  	[sflag:s1] =	ssyncset.done $0x0  }
0x3b: {  	[sflag:s1] =	ssyncadd.s32 $0xFFFFF000  }
0x3c: {  	_ =	swait.ge [sflag:s1], $0x1000  }
0x3d: {  	[sflag:s1] =	ssyncset.done $0x0  }
0x3e: {  	[sflag:s1] =	ssyncadd.s32 $0xFFFFF000  }
0x3f: {  	_ =	swait.ge [sflag:s1], $0x1000  }
0x40: {  	[sflag:s1] =	ssyncset.done $0x0  }
0x41: {  	[sflag:s1] =	ssyncadd.s32 $0xFFFFF000  }
0x42: {  	_ =	swait.ge [sflag:s1], $0x1000  }
0x43: {  	[sflag:s1] =	ssyncset.done $0x0  }
0x44: {  	[sflag:s1] =	ssyncadd.s32 $0xFFFFF000  }
0x45: {  	_ =	swait.ge [sflag:s1], $0x1000  }
0x46: {  	[sflag:s1] =	ssyncset.done $0x0  }
0x47: {  	[sflag:s1] =	ssyncadd.s32 $0xFFFFF000  }
0x48: {  	_ =	swait.ge [sflag:s1], $0x1000  }
0x49: {  	[sflag:s1] =	ssyncset.done $0x0  }
0x4a: {  	[sflag:s1] =	ssyncadd.s32 $0xFFFFF000  }
0x4b: {  	_ =	swait.ge [sflag:s1], $0x1000  }
0x4c: {  	[sflag:s1] =	ssyncset.done $0x0  }
0x4d: {  	[sflag:s1] =	ssyncadd.s32 $0xFFFFF000  }
0x4e: {  	_ =	swait.ge [sflag:s1], $0x1000  }
0x4f: {  	[sflag:s1] =	ssyncset.done $0x0  }
0x50: {  	[sflag:s1] =	ssyncadd.s32 $0xFFFFF000  }
0x51: {  	_ =	swait.ge [sflag:s1], $0x1000  }
0x52: {  	[sflag:s1] =	ssyncset.done $0x0  }
0x53: {  	[sflag:s1] =	ssyncadd.s32 $0xFFFFF000  }
0x54: {  	[hbm4b:s7+s2] =	stream.linear.scatter [tilespmem:s13], [sflag:$0x5], $0xA000, $0x38;
	[tilespmem:$0x14A00] =	vst v63  }
0x55: {  	p0 =	seq.s32 s9, $0xB40;
	_ =	swait.ge [sflag:s0], $0x500  }
0x56: {  	p1 =	seq.s32 @!p0 s9, $0x0;
	[sflag:s0] =	ssyncset.done $0x0  }
0x57: {  	s14 =	sadd.s32 @!p0 s9, s6;
	s15 =	simm.s32 @!p0 $0x0;
	[sflag:s0] =	ssyncadd.s32 $0xFFFFFB00  }
0x58: {  	[tilespmem:s15], [sflag:$0x1] =	stream.linear.gather @!p0 [hbm4b:s14+s15], $0x500, $0x38;
	[tilespmem:$0x14A00] =	vst v63  }
0x59: {  	p0 =	por p0, !p1  }
0x5a: {  	_ =	swait.ge @p0 [sflag:s31], $0xA000  }
0x5b: {  	[sflag:s31] =	ssyncset.done @p0 $0x0  }
0x5c: {  	[sflag:s31] =	ssyncadd.s32 @p0 $0xFFFF6000  }
0x5d: {  	[tilespmem:s4], [sflag:$0x4] =	stream.indirect.gather [hbm4b:s3+s12], $0x20, s11, s12, $0xb8;
	[tilespmem:$0x14A00] =	vst v63  }
0x5e: {  	s14 =	simm.s32 $0x580;
	s15 =	simm.s32 $0xBA00  }
0x5f: {  	[tilespmem:s15], [sflag:$0x4] =	stream.indirect.gather [hbm4b:s3+s12], $0x20, s14, s12, $0xb8;
	[tilespmem:$0x14A00] =	vst v63  }
0x60: {  	s14 =	simm.s32 $0x600;
	s15 =	simm.s32 $0xCA00  }
0x61: {  	[tilespmem:s15], [sflag:$0x4] =	stream.indirect.gather [hbm4b:s3+s12], $0x20, s14, s12, $0xb8;
	[tilespmem:$0x14A00] =	vst v63  }
0x62: {  	s15 =	simm.s32 $0x680  }
0x63: {  	[tilespmem:s16], [sflag:$0x4] =	stream.indirect.gather [hbm4b:s3+s12], $0x20, s15, s12, $0xb8;
	[tilespmem:$0x14A00] =	vst v63  }
0x64: {  	_ = 	snop  }
0x65: {  	[tilespmem:s18], [sflag:$0x4] =	stream.indirect.gather [hbm4b:s3+s12], $0x20, s17, s12, $0xb8;
	[tilespmem:$0x14A00] =	vst v63  }
0x66: {  	_ = 	snop  }
0x67: {  	[tilespmem:s20], [sflag:$0x4] =	stream.indirect.gather [hbm4b:s3+s12], $0x20, s19, s12, $0xb8;
	[tilespmem:$0x14A00] =	vst v63  }
0x68: {  	_ = 	snop  }
0x69: {  	[tilespmem:s22], [sflag:$0x4] =	stream.indirect.gather [hbm4b:s3+s12], $0x20, s21, s12, $0xb8;
	[tilespmem:$0x14A00] =	vst v63  }
0x6a: {  	_ = 	snop  }
0x6b: {  	[tilespmem:s24], [sflag:$0x4] =	stream.indirect.gather [hbm4b:s3+s12], $0x20, s23, s12, $0xb8;
	[tilespmem:$0x14A00] =	vst v63  }
0x6c: {  	_ = 	snop  }
0x6d: {  	[tilespmem:s26], [sflag:$0x4] =	stream.indirect.gather [hbm4b:s3+s12], $0x20, s25, s12, $0xb8;
	[tilespmem:$0x14A00] =	vst v63  }
0x6e: {  	_ = 	snop  }
0x6f: {  	[tilespmem:s29], [sflag:$0x4] =	stream.indirect.gather [hbm4b:s3+s12], $0x20, s28, s12, $0xb8;
	[tilespmem:$0x14A00] =	vst v63  }
0x70: {  	_ =	swait.ge [sflag:s30], $0x1000  }
0x71: {  	[sflag:s30] =	ssyncset.done $0x0  }
0x72: {  	[sflag:s30] =	ssyncadd.s32 $0xFFFFF000  }
0x73: {  	_ =	swait.ge [sflag:s30], $0x1000  }
0x74: {  	[sflag:s30] =	ssyncset.done $0x0  }
0x75: {  	[sflag:s30] =	ssyncadd.s32 $0xFFFFF000  }
0x76: {  	_ =	swait.ge [sflag:s30], $0x1000  }
0x77: {  	[sflag:s30] =	ssyncset.done $0x0  }
0x78: {  	[sflag:s30] =	ssyncadd.s32 $0xFFFFF000  }
0x79: {  	_ =	swait.ge [sflag:s30], $0x1000  }
0x7a: {  	[sflag:s30] =	ssyncset.done $0x0  }
0x7b: {  	[sflag:s30] =	ssyncadd.s32 $0xFFFFF000  }
0x7c: {  	_ =	swait.ge [sflag:s30], $0x1000  }
0x7d: {  	[sflag:s30] =	ssyncset.done $0x0  }
0x7e: {  	[sflag:s30] =	ssyncadd.s32 $0xFFFFF000  }
0x7f: {  	_ =	swait.ge [sflag:s30], $0x1000  }
0x80: {  	[sflag:s30] =	ssyncset.done $0x0  }
0x81: {  	[sflag:s30] =	ssyncadd.s32 $0xFFFFF000  }
0x82: {  	_ =	swait.ge [sflag:s30], $0x1000  }
0x83: {  	[sflag:s30] =	ssyncset.done $0x0  }
0x84: {  	[sflag:s30] =	ssyncadd.s32 $0xFFFFF000  }
0x85: {  	_ =	swait.ge [sflag:s30], $0x1000  }
0x86: {  	[sflag:s30] =	ssyncset.done $0x0  }
0x87: {  	[sflag:s30] =	ssyncadd.s32 $0xFFFFF000  }
0x88: {  	_ =	swait.ge [sflag:s30], $0x1000  }
0x89: {  	s9 =	sadd.s32 $0x140, s9;
	[sflag:s30] =	ssyncset.done $0x0  }
0x8a: {  	p0 =	sne.s32 s9, $0xC80;
	[sflag:s30] =	ssyncadd.s32 $0xFFFFF000  }
.Ltmp0:
0x8b: {  	_ =	swait.ge [sflag:s30], $0x1000;
	(pc) =	sbr.rel @p0 .LBB2_2-.Ltmp0, $4  }
0x8c: {  	[sflag:s30] =	ssyncset.done $0x0  }
0x8d: {  	[sflag:s30] =	ssyncadd.s32 $0xFFFFF000  }
0x8e: {  	[hbm4b:s5+s2] =	stream.linear.scatter [tilespmem:s4], [sflag:$0x6], $0xA000, $0x38;
	[tilespmem:$0x14A00] =	vst v63  }
0x8f: {  	s7 =	sadd.s32 $0x2800, s7;
	s5 =	sadd.s32 $0x2800, s5  }
0x90: {  	s5 =	simm.s32 $0x5  }
0x91: {  	_ =	swait.ge [sflag:s5], $0xA000  }
0x92: {  	[sflag:s5] =	ssyncset.done $0x0  }
0x93: {  	[sflag:s5] =	ssyncadd.s32 $0xFFFF6000  }
0x94: {  	_ =	swait.ge [sflag:s31], $0xA000  }
0x95: {  	s7 =	rddreg [dreg:$0x7]  }
0x96: {  	s15 =	rddreg [dreg:$0x4];
	s7 =	sadd.s32 $0x1, s7  }
0x97: {  	p0 =	sne.s32 s7, s15  }
.Ltmp1:
0x98: {  	_ = 	snop;
	(pc) =	sbr.rel @p0 .LBB2_1-.Ltmp1, $3  }
0x99: {  	_ =	sdelay $0x1  }
0x9a: {  	[sflag:s31] =	ssyncset.done $0x0  }
0x9b: {  	[sflag:s31] =	ssyncadd.s32 $0xFFFF6000  }
0x9c: {  	_ =	sfence.sel $0x180000  }
0x9d: {  	[bflag:$0x0] =	sbarrier.arrive $0xFFFF  }
0x9e: {  	_ =	strace $0x90000047  }
0x9f: {  	s0 =	stileid.u32;
	[bflag:$0x2] =	sbarrier.arrive $0xFFFF  }
0xa0: {  	p0 =	sne.s32 s0, $0x0;
	s0 =	rddreg [dreg:$0x2]  }
0xa1: {  	s0 =	sadd.s32 @!p0 $0x100000, s0  }
0xa2: {  	[sflag:s0] =	ssyncadd.tile.s32 @!p0 $0x1;
	_ =	shalt  }
.Lfunc_end2:
_tile_overlayer_lowered:
.L_overlay_start_2:
0xa3: {  	(tag) =	ssettag $0x2  }
0xa4: {  	s0 =	rddreg [dreg:$0x0];
	s2 =	stileid.u32  }
0xa5: {  	s1 =	rddreg [dreg:$0x1];
	p0 =	sne.s32 s2, $0x0  }
0xa6: {  	s3 =	rddreg [dreg:$0x2];
	[bflag:$0x3] =	sbarrier.arrive $0xFFFF;
	s2 =	simm.s32 @!p0 $0x1C07  }
0xa7: {  	[timem:s3], [sflag:s2] =	dma.local @!p0 [hbm:s0], s1  }
0xa8: {  	s0 =	simm.s32 @!p0 $0x7  }
0xa9: {  	_ =	swait.ge @!p0 [sflag:s0], s1  }
0xaa: {  	s1 =	ssub.s32 @!p0 $0x0, s1;
	[sflag:s0] =	ssyncset.done @!p0 $0x0  }
0xab: {  	[sflag:s0] =	ssyncadd.s32 @!p0 s1  }
0xac: {  	[bflag:$0x3] =	sbarrier.arrive $0xFFFF  }
0xad: {  	_ =	shalt  }

// kernel: sparse-core-data-format-call.cloned.1.call-start
scs
called_computation_lowered:
.L_overlay_start_0:
0x0: {  	s2 =	sld [smem:$0x3FD9]  }
0x1: {  	s3 =	sld [smem:$0x3FFE];
	_ =	sdelay $0x1  }
0x2: {  	s1 =	srdreg.scid  }
0x3: {  	s0 =	sand.u32 $0x1, s1  }
0x4: {  	s18 =	sshll.u32 s0, $0xA;
	s2 =	sadd.s32 s3, s2  }
0x5: {  	s2 =	sadd.s32 s2, s18  }
0x6: {  	[smem:$0x3FC6] =	sst s2  }
0x7: {  	_ = 	snop  }
0x8: {  	s2 =	sld [smem:$0x3FD0];
	(tm) =	ssettm $0x1  }
0x9: {  	s19 =	sld [smem:$0x3FFB];
	_ =	sdelay $0x3  }
0xa: {  	_ =	strace s19  }
0xb: {  	s3 =	sld [smem:$0x3FFC];
	_ =	sdelay $0x3  }
0xc: {  	_ =	strace s3  }
0xd: {  	s3 =	sld [smem:$0x3FFD];
	_ =	sdelay $0x3  }
0xe: {  	_ =	strace s3  }
0xf: {  	_ =	strace $0x8FFFFFFF  }
0x10: {  	s20 =	sld [smem:$0x3FDB];
	_ =	sdelay $0x1  }
0x11: {  	s4 =	simm.s32 $_scs_section_size  }
0x12: {  	s5 =	simm.s32 $_size__tile_overlayer_lowered;
	s6 =	simm.s32 $_tile_overlayer_lowered  }
0x13: {  	s23 =	simm.s32 $0x1BFF;
	s22 =	sshll.u32 s6, $0x1;
	s3 =	sadd.s32 s4, s20  }
0x14: {  	s7 =	simm.s32 $0x0;
	s21 =	sshll.u32 s5, $0x1;
	s5 =	sadd.s32 s22, s3  }
0x15: {  	[timem:s7], [sflag:s23] =	dma.local [hbm:s5], s21  }
0x16: {  	_ =	swait.ge [sflag:s23], s21  }
0x17: {  	s4 =	ssub.s32 $0x0, s21;
	[sflag:s23] =	ssyncset.done $0x0  }
0x18: {  	[sflag:s23] =	ssyncadd.s32 s4;
	_ =	sdelay $0x1  }
0x19: {  	s24 =	simm.s32 $0x1B8B  }
0x1a: {  	_ =	swait.ge [sflag:s24], $0x1  }
0x1b: {  	[sflag:s24] =	ssyncset.done $0x0  }
0x1c: {  	s26 =	simm.s32 $0x1B8E;
	s25 =	sld [smem:$0x3FFE];
	[sflag:s24] =	ssyncadd.s32 $0xFFFFFFFF  }
0x1d: {  	s27 =	simm.s32 $execute0_lowered;
	[smem:$0x3FD2] =	sst s26  }
0x1e: {  	s5 =	sshll.u32 s27, $0x1;
	_ =	strace $0x80000049;
	[dreg:$0x1] =	wrdreg $0xFFFFFFFF  }
0x1f: {  	s28 =	simm.s32 $_size_execute0_lowered;
	s3 =	sadd.s32 s3, s5;
	[dreg:$0x0] =	wrdreg $0x0  }
0x20: {  	s5 =	sshll.u32 s28, $0x1;
	[dreg:$0x2] =	wrdreg s3  }
0x21: {  	[dreg:$0x3] =	wrdreg s5  }
0x22: {  	[dreg:$0x4] =	wrdreg $0xC0  }
0x23: {  	_ =	task [dreg:s7], $0x5FFFF  }
0x24: {  	[dreg:$0x1] =	wrdreg $0xFFFFFFFF  }
0x25: {  	[dreg:$0x0] =	wrdreg $0x60  }
0x26: {  	[dreg:$0x2] =	wrdreg s25  }
0x27: {  	[dreg:$0x3] =	wrdreg s2  }
0x28: {  	[dreg:$0x4] =	wrdreg $0x9  }
0x29: {  	_ =	task.clear_ibuf [dreg:s7], $0x5FFFF;
	_ =	strace $0x90000049  }
0x2a: {  	s29 =	simm.s32 $0x9;
	_ =	strace $0x8000004B  }
0x2b: {  	_ =	swait.ge [sflag:s29], $0x1  }
0x2c: {  	[sflag:s29] =	ssyncadd.s32 $0xFFFFFFFF  }
0x2d: {  	_ =	strace $0x9000004B  }
0x2e: {  	_ =	sfence  }
0x2f: {  	s30 =	sld [smem:$0x0];
	_ =	sdelay $0x2  }
0x30: {  	s31 =	sshll.u32 s1, $0xD;
	s1 =	sshrl.u32 s1, $0x2  }
0x31: {  	s3 =	sand.u32 $0x4000, s31;
	s1 =	sadd.s32 s1, s30  }
0x32: {  	s0 =	sor.u32 s3, s0;
	s1 =	sshll.u32 s1, $0x11  }
0x33: {  	s0 =	sor.u32 s1, s0  }
0x34: {  	s0 =	sadd.s32 $0x8F2B, s0  }
0x35: {  	[sflag:s0] =	ssyncadd.remote.s32 $0x1  }
0x36: {  	_ =	sfence.sel $0xFFFF  }
0x37: {  	[dreg:$0x0] =	wrdreg $0xFFFFFFFF;
	(pc) =	sbr.abs _section_cstart, $3  }
0x38: {  	[dreg:$0x1] =	wrdreg $0xFFFFFFFF  }
0x39: {  	_ =	task.clear_ibuf [dreg:s7], $0x2FFFF;
	_ =	strace $0x9FFFFFFF  }
0x3a: {  	(tm) =	ssettm $0x7FFFFFFF  }
0x3b: {  	_ =	shalt  }
tec
execute0_lowered:
.L_overlay_start_1:
0x0: {  	(tag) =	ssettag $0x1  }
0x1: {  	s0 =	srdreg.scid  }
0x2: {  	s1 =	sshll.u32 s0, $0x4  }
0x3: {  	s0 =	stileid.u32;
	s1 =	sand.u32 $0x10, s1  }
0x4: {  	s1 =	sor.u32 s0, s1  }
0x5: {  	s6 =	rddreg [dreg:$0x0];
	s4 =	simm.s32 $0x1;
	s2 =	sshll.u32 s1, $0x7  }
0x6: {  	s7 =	simm.s32 $0x2;
	s12 =	simm.s32 $0x0;
	s1 =	ssub.s32 $0x1000, s2  }
0x7: {  	s8 =	simm.s32 $0x8000;
	s13 =	simm.s32 $0x0;
	s3 =	sand.u32 $0xF80, s1  }
0x8: {  	s9 =	simm.s32 $0x0;
	s5 =	sshrl.u32 s1, $0xC;
	p0 =	sne.s32 s3, $0x0  }
.Ltmp0:
0x9: {  	s1 =	rddreg [dreg:$0x2];
	s4 =	simm.s32 @!p0 $0x0;
	(pc) =	sbr.rel .LBB1_1-.Ltmp0, $4  }
0xa: {  	s11 =	simm.s32 $0x0;
	s3 =	rddreg [dreg:$0x1];
	s5 =	sadd.s32 s4, s5  }
0xb: {  	_ =	strace $0x8000004A;
	s4 =	simm.s32 $0x1;
	s5 =	smul.u32 $0xC8, s5  }
0xc: {  	s6 =	sadd.s32 $0xA00, s6;
	s10 =	smov.u32 s2;
	[sflag:s4] =	ssyncpa.u1 $0x0  }
0xd: {  	p0 =	por $0x0, $0x0;
	[sflag:s7] =	ssyncpa.u1 $0x0;
	s7 =	sor.u32 $0x1, s5  }
.LBB1_4:
0xe: {  	s16 =	sshll.u32 s13, $0x3;
	s17 =	sand.u32 $0x78, s13  }
0xf: {  	s30 =	sand.u32 $0x3E00, s13;
	s12 =	sshll.u32 s12, $0xE;
	s16 =	sand.u32 $0xC00, s16  }
0x10: {  	s31 =	sand.u32 $0x7, s13;
	s16 =	sor.u32 s17, s16;
	s17 =	sadd.s32 s3, s30  }
0x11: {  	s13 =	sshll.u32 s31, $0x12;
	s16 =	sshrl.u32 s16, $0x3;
	s12 =	sadd.s32 s12, s17  }
0x12: {  	[tilespmem:s15+$0x0 ss:$0x81] =	vst.msk $0xffff, v0;
	s13 =	sor.u32 $0x400, s13;
	s12 =	sadd.s32 s16, s12  }
0x13: {  	[hbm4b:s12+s13] =	stream.strided.scatter [tilespmem:s14], [sflag:$0x2], $0x1000, s8, s13, $0x20;
	[tilespmem:$0x4040] =	vst v63  }
.LBB1_5:
0x14: {  	s14 =	sadd.s32 $0x1, s9  }
0x15: {  	s12 =	sadd.s32 $0x1000, s10;
	s16 =	smov.u32 s10;
	p2 =	sgt.s32 s14, $0xC7  }
0x16: {  	s16 =	smov.u32 @p2 s12  }
0x17: {  	s14 =	simm.s32 @p2 $0x0;
	p2 =	sgt.s32 s16, $0xFFF  }
0x18: {  	s16 =	smov.u32 @p2 s2;
	p2 =	sne.s32 s11, s7  }
.Ltmp1:
0x19: {  	p1 =	slt.u32 s11, $0x2;
	(pc) =	sbr.rel @!p2 .LBB1_6-.Ltmp1, $4  }
0x1a: {  	s15 =	simm.s32 @!p1 $0x2  }
0x1b: {  	s13 =	smov.u32 s10;
	p0 =	por !p0, !p0;
	_ =	swait.ge @!p1 [sflag:s15], $0x1000  }
0x1c: {  	s12 =	smov.u32 s9;
	[sflag:s15] =	ssyncset.done @!p1 $0x0;
	s9 =	smov.u32 s14  }
0x1d: {  	s11 =	sadd.s32 $0x1, s11;
	[sflag:s15] =	ssyncadd.s32 @!p1 $0xFFFFF000;
	s10 =	smov.u32 s16  }
.LBB1_1:
0x1e: {  	p1 =	sge.u32 s11, s5  }
0x1f: {  	s14 =	sand.u32 @!p1 $0x1FFFFFF, s9  }
0x20: {  	s15 =	smulhi.u32 @!p1 $0x147AE15, s14;
	_ =	sdelay $0x1  }
0x21: {  	s15 =	smul.u32 @!p1 $0xC8, s15  }
0x22: {  	s16 =	sxor.u32 @!p1 $0xFFFFFFFF, s11;
	s17 =	smul.u32 @!p1 $0xC80, s10  }
0x23: {  	s31 =	sadd.s32 $0xFFFFFFFF, s11;
	s16 =	sshll.u32 @!p1 s16, $0xC;
	s14 =	ssub.s32 @!p1 s14, s15  }
0x24: {  	s15 =	sand.u32 @!p1 $0x1000, s16;
	s16 =	sadd.s32 @!p1 s6, s17;
	s14 =	sshll.u32 @!p1 s14, $0x4  }
0x25: {  	s17 =	simm.s32 @!p1 $0x6400;
	s14 =	sadd.s32 @!p1 s14, s16;
	s16 =	simm.s32 @!p1 $0x20  }
0x26: {  	[tilespmem:s15], [sflag:$0x1] =	stream.strided.gather @!p1 [hbm4b:s14+s16], $0x1000, s17, s16, $0x38;
	[tilespmem:$0x4040] =	vst v63  }
0x27: {  	p1 =	sge.u32 s31, s5  }
.Ltmp2:
0x28: {  	_ = 	snop;
	(pc) =	sbr.rel @p1 .LBB1_5-.Ltmp2, $1  }
0x29: {  	_ =	sdelay $0x3  }
0x2a: {  	s14 =	simm.s32 $0x1  }
0x2b: {  	_ =	swait.ge [sflag:s4], $0x1000;
	s14 =	simm.s32 @!p0 $0x0  }
0x2c: {  	[sflag:s4] =	ssyncset.done $0x0;
	s15 =	sshll.u32 s14, $0xC  }
0x2d: {  	[sflag:s4] =	ssyncadd.s32 $0xFFFFF000;
	s18 =	sor.u32 $0x10, s15  }
0x2e: {  	s14 =	smul.u32 $0x4080, s14;
	v1 =	vld [tilespmem:s18+$0x0]  }
0x2f: {  	s30 =	sand.u32 $0x1, s11;
	v0 =	vld [tilespmem:s18+$0xFFFFFFF0]  }
0x30: {  	s15 =	smul.u32 $0x4080, s30;
	s14 =	sshrl.u32 s14, $0x2  }
0x31: {  	s16 =	sor.u32 $0x2000, s14  }
0x32: {  	s31 =	sshrl.u32 s15, $0x2;
	s15 =	sadd.s32 $0x0, s16  }
0x33: {  	s17 =	simm.s32 $0x4;
	s18 =	sadd.s32 $0x20, s18;
	s14 =	sor.u32 $0x2000, s31;
	[tilespmem:s15+$0x810 ss:$0x81] =	vst.msk $0xffff, v1  }
.LBB1_3:
0x34: {  	v1 =	vld [tilespmem:s18+$0x0];
	p1 =	sne.s32 s17, $0x1FC;
	[tilespmem:s15+$0x0 ss:$0x81] =	vst.msk $0xffff, v0;
	s15 =	smov.u32 s17;
	s17 =	sadd.s32 $0x4, s17  }
.Ltmp3:
0x35: {  	v0 =	vld [tilespmem:s18+$0xFFFFFFF0];
	(pc) =	sbr.rel @p1 .LBB1_3-.Ltmp3, $4  }
0x36: {  	_ = 	snop  }
0x37: {  	s15 =	sshra.s32 s15, $0x2  }
0x38: {  	s15 =	sadd.s32 s15, s16  }
0x39: {  	s18 =	sadd.s32 $0x20, s18;
	[tilespmem:s15+$0x810 ss:$0x81] =	vst.msk $0xffff, v1  }
.Ltmp4:
0x3a: {  	_ = 	snop;
	(pc) =	sbr.rel .LBB1_4-.Ltmp4, $1  }
0x3b: {  	_ =	sdelay $0x3  }
.LBB1_6:
0x3c: {  	_ =	sfence.sel $0x180000  }
0x3d: {  	s2 =	simm.s32 $0x1;
	[bflag:$0x0] =	sbarrier.arrive $0xFFFF  }
0x3e: {  	s31 =	simm.s32 $0x2;
	[sflag:s2] =	ssyncpa.u1 $0x1  }
0x3f: {  	[sflag:s31] =	ssyncpa.u1 $0x1  }
0x40: {  	p0 =	sne.s32 s0, $0x0;
	_ =	strace $0x9000004A  }
0x41: {  	s0 =	sadd.s32 @!p0 $0x100000, s1;
	[bflag:$0x2] =	sbarrier.arrive $0xFFFF  }
0x42: {  	[sflag:s0] =	ssyncadd.tile.s32 @!p0 $0x1;
	_ =	shalt  }
.Lfunc_end1:
_tile_overlayer_lowered:
.L_overlay_start_2:
0x43: {  	(tag) =	ssettag $0x2  }
0x44: {  	s0 =	rddreg [dreg:$0x0];
	s2 =	stileid.u32  }
0x45: {  	s1 =	rddreg [dreg:$0x1];
	p0 =	sne.s32 s2, $0x0  }
0x46: {  	s3 =	rddreg [dreg:$0x2];
	[bflag:$0x3] =	sbarrier.arrive $0xFFFF;
	s2 =	simm.s32 @!p0 $0x1C01  }
0x47: {  	[timem:s3], [sflag:s2] =	dma.local @!p0 [hbm:s0], s1  }
0x48: {  	s0 =	simm.s32 @!p0 $0x1  }
0x49: {  	_ =	swait.ge @!p0 [sflag:s0], s1  }
0x4a: {  	s1 =	ssub.s32 @!p0 $0x0, s1;
	[sflag:s0] =	ssyncset.done @!p0 $0x0  }
0x4b: {  	[sflag:s0] =	ssyncadd.s32 @!p0 s1  }
0x4c: {  	[bflag:$0x3] =	sbarrier.arrive $0xFFFF  }
0x4d: {  	_ =	shalt  }

</sc_bundles>
